<compile_context>
chip_gen: v7x
topology: tpu7x:2x2x1
jax: 0.10.2.dev20260603
libtpu: 0.0.44.dev20260713+nightly
codegen_flags: <defaults>
</compile_context>

<pallas_src>
import functools

import jax
import jax.numpy as jnp
from jax import lax
from jax.experimental import pallas as pl
from jax.experimental.pallas import tpu as pltpu
from jax.experimental.pallas import tpu_sc as plsc

NC = 2
NS = 16
CHUNK = 128
NDUMP = 240


def _sc_layer1(xlo, xhi, srcm, dstm, z128, z1, acc_rows, rows_per_tile):
    n_idx_rows = srcm.shape[0]
    G = n_idx_rows // NS
    tail = n_idx_rows - G * NS
    assert G % 2 == 0 and tail <= 2
    stage = G + tail
    mesh = plsc.VectorSubcoreMesh(core_axis_name="c", subcore_axis_name="s")

    @functools.partial(
        pl.kernel,
        out_type=(
            jax.ShapeDtypeStruct((acc_rows, 128), jnp.bfloat16),
            jax.ShapeDtypeStruct((acc_rows, 128), jnp.bfloat16),
            jax.ShapeDtypeStruct((acc_rows,), jnp.float32),
        ),
        mesh=mesh,
        scratch_types=[
            pltpu.VMEM((stage, CHUNK), jnp.int32),
            pltpu.VMEM((stage, CHUNK), jnp.int32),
            pltpu.VMEM((CHUNK, 128), jnp.bfloat16),
            pltpu.VMEM((CHUNK, 128), jnp.bfloat16),
            pltpu.VMEM((CHUNK,), jnp.float32),
            pltpu.VMEM_SHARED((acc_rows, 128), jnp.bfloat16),
            pltpu.VMEM_SHARED((acc_rows,), jnp.float32),
            pltpu.SemaphoreType.DMA,
            pltpu.SemaphoreType.DMA,
        ],
        compiler_params=pltpu.CompilerParams(use_tc_tiling_on_sc=False),
    )
    def k(xlo_hbm, xhi_hbm, src_hbm, dst_hbm, z128_hbm, z1_hbm,
          alo_hbm, ahi_hbm, deg_hbm,
          src_v, dst_v, rows0_v, rows1_v, ones_v, acc, dacc, sem0, sem1):
        cid = lax.axis_index("c")
        sid = lax.axis_index("s")
        r0 = sid * rows_per_tile

        pltpu.sync_copy(z128_hbm, acc.at[pl.ds(r0, rows_per_tile)])

        @pl.when(jnp.logical_and(cid == 0, sid == 0))
        def _():
            pltpu.sync_copy(z1_hbm, dacc)

        for t in range(CHUNK // 16):
            ones_v[pl.ds(t * 16, 16)] = jnp.ones((16,), jnp.float32)

        plsc.subcore_barrier()

        def run(x_hbm, do_deg):
            base = sid * G
            pltpu.sync_copy(src_hbm.at[pl.ds(base, G)], src_v.at[pl.ds(0, G)])
            pltpu.sync_copy(dst_hbm.at[pl.ds(base, G)], dst_v.at[pl.ds(0, G)])
            if tail:
                @pl.when(sid == NS - 1)
                def _():
                    pltpu.sync_copy(src_hbm.at[pl.ds(G * NS, tail)],
                                    src_v.at[pl.ds(G, tail)])
                    pltpu.sync_copy(dst_hbm.at[pl.ds(G * NS, tail)],
                                    dst_v.at[pl.ds(G, tail)])

            def gather(j, buf, sem):
                pltpu.async_copy(x_hbm.at[src_v.at[j]], buf, sem)

            def consume(j, buf, sem):
                pltpu.make_async_copy(x_hbm.at[src_v.at[j]], buf, sem).wait()
                pltpu.sync_copy(buf, acc.at[dst_v.at[j]], add=True)
                if do_deg:
                    pltpu.sync_copy(ones_v, dacc.at[dst_v.at[j]], add=True)

            gather(0, rows0_v, sem0)

            def body(i, c2):
                j = 2 * i
                gather(j + 1, rows1_v, sem1)
                consume(j, rows0_v, sem0)
                gather(jnp.minimum(j + 2, G - 1), rows0_v, sem0)
                consume(j + 1, rows1_v, sem1)
                return c2
            lax.fori_loop(0, G // 2, body, 0)
            pltpu.make_async_copy(x_hbm.at[src_v.at[G - 1]],
                                  rows0_v, sem0).wait()
            if tail:
                @pl.when(sid == NS - 1)
                def _():
                    for j in range(G, G + tail):
                        pltpu.async_copy(x_hbm.at[src_v.at[j]],
                                         rows0_v, sem0).wait()
                        pltpu.sync_copy(rows0_v, acc.at[dst_v.at[j]], add=True)
                        if do_deg:
                            pltpu.sync_copy(ones_v, dacc.at[dst_v.at[j]],
                                            add=True)

        @pl.when(cid == 0)
        def _():
            run(xlo_hbm, True)

        @pl.when(cid == 1)
        def _():
            run(xhi_hbm, False)

        plsc.subcore_barrier()

        @pl.when(cid == 0)
        def _():
            pltpu.sync_copy(acc.at[pl.ds(r0, rows_per_tile)],
                            alo_hbm.at[pl.ds(r0, rows_per_tile)])

            @pl.when(sid == 0)
            def _():
                pltpu.sync_copy(dacc, deg_hbm)

        @pl.when(cid == 1)
        def _():
            pltpu.sync_copy(acc.at[pl.ds(r0, rows_per_tile)],
                            ahi_hbm.at[pl.ds(r0, rows_per_tile)])

    return k(xlo, xhi, srcm, dstm, z128, z1)


def _sc_layer2(p2, srcm, dstm, zc, acc_rows, rows_per_tile):
    c = p2.shape[1]
    n_idx_rows = srcm.shape[0]
    NW = NC * NS
    G = n_idx_rows // NW
    P = G - (G % 2)
    tail = n_idx_rows - G * NW
    assert tail < NW
    stage = G + 1
    mesh = plsc.VectorSubcoreMesh(core_axis_name="c", subcore_axis_name="s")

    @functools.partial(
        pl.kernel,
        out_type=(
            jax.ShapeDtypeStruct((acc_rows, c), jnp.float32),
            jax.ShapeDtypeStruct((acc_rows, c), jnp.float32),
        ),
        mesh=mesh,
        scratch_types=[
            pltpu.VMEM((stage, CHUNK), jnp.int32),
            pltpu.VMEM((stage, CHUNK), jnp.int32),
            pltpu.VMEM((CHUNK, c), jnp.float32),
            pltpu.VMEM((CHUNK, c), jnp.float32),
            pltpu.VMEM_SHARED((acc_rows, c), jnp.float32),
            pltpu.SemaphoreType.DMA,
            pltpu.SemaphoreType.DMA,
        ],
        compiler_params=pltpu.CompilerParams(use_tc_tiling_on_sc=False),
    )
    def k(p2_hbm, src_hbm, dst_hbm, zc_hbm, p0_hbm, p1_hbm,
          src_v, dst_v, rows0_v, rows1_v, acc, sem0, sem1):
        cid = lax.axis_index("c")
        sid = lax.axis_index("s")
        wid = cid * NS + sid
        r0 = sid * rows_per_tile

        pltpu.sync_copy(zc_hbm, acc.at[pl.ds(r0, rows_per_tile)])
        pltpu.sync_copy(src_hbm.at[pl.ds(wid * G, G)], src_v.at[pl.ds(0, G)])
        pltpu.sync_copy(dst_hbm.at[pl.ds(wid * G, G)], dst_v.at[pl.ds(0, G)])
        if tail:
            @pl.when(wid >= NW - tail)
            def _():
                extra = G * NW + (wid - (NW - tail))
                pltpu.sync_copy(src_hbm.at[pl.ds(extra, 1)],
                                src_v.at[pl.ds(G, 1)])
                pltpu.sync_copy(dst_hbm.at[pl.ds(extra, 1)],
                                dst_v.at[pl.ds(G, 1)])
        plsc.subcore_barrier()

        def gather(j, buf, sem):
            pltpu.async_copy(p2_hbm.at[src_v.at[j]], buf, sem)

        def consume(j, buf, sem):
            pltpu.make_async_copy(p2_hbm.at[src_v.at[j]], buf, sem).wait()
            pltpu.sync_copy(buf, acc.at[dst_v.at[j]], add=True)

        gather(0, rows0_v, sem0)

        def body(i, carry):
            j = 2 * i
            gather(j + 1, rows1_v, sem1)
            consume(j, rows0_v, sem0)
            gather(jnp.minimum(j + 2, P - 1), rows0_v, sem0)
            consume(j + 1, rows1_v, sem1)
            return carry
        lax.fori_loop(0, P // 2, body, 0)
        pltpu.make_async_copy(p2_hbm.at[src_v.at[P - 1]],
                              rows0_v, sem0).wait()
        for j in range(P, G):
            pltpu.async_copy(p2_hbm.at[src_v.at[j]], rows0_v, sem0).wait()
            pltpu.sync_copy(rows0_v, acc.at[dst_v.at[j]], add=True)
        if tail:
            @pl.when(wid >= NW - tail)
            def _():
                pltpu.async_copy(p2_hbm.at[src_v.at[G]], rows0_v, sem0).wait()
                pltpu.sync_copy(rows0_v, acc.at[dst_v.at[G]], add=True)

        plsc.subcore_barrier()

        @pl.when(cid == 0)
        def _():
            pltpu.sync_copy(acc.at[pl.ds(r0, rows_per_tile)],
                            p0_hbm.at[pl.ds(r0, rows_per_tile)])

        @pl.when(cid == 1)
        def _():
            pltpu.sync_copy(acc.at[pl.ds(r0, rows_per_tile)],
                            p1_hbm.at[pl.ds(r0, rows_per_tile)])

    return k(p2, srcm, dstm, zc)


def _tc_pre(x, ws1, b1_2d):
    n, d = x.shape
    bn = 1000

    def body(x_ref, ws1_ref, b1_ref, s1_ref):
        s1_ref[...] = (jnp.dot(x_ref[...], ws1_ref[...],
                               preferred_element_type=jnp.float32)
                       + b1_ref[...])

    return pl.pallas_call(
        body,
        grid=(n // bn,),
        in_specs=[
            pl.BlockSpec((bn, d), lambda i: (i, 0)),
            pl.BlockSpec((d, d), lambda i: (0, 0)),
            pl.BlockSpec((1, d), lambda i: (0, 0)),
        ],
        out_specs=pl.BlockSpec((bn, d), lambda i: (i, 0)),
        out_shape=jax.ShapeDtypeStruct((n, d), jnp.float32),
    )(x, ws1, b1_2d)


def _tc_mid(s1, alo, ahi, deg2, wn1, w2):
    n, d = s1.shape
    c2 = w2.shape[1]
    bn = 2000
    dh = d // 2

    def body(s1_ref, alo_ref, ahi_ref, deg_ref, wn1_ref, w2_ref,
             s2_ref, p2_ref):
        r = 1.0 / jnp.maximum(deg_ref[...], 1.0)
        agg_w = (jnp.dot(alo_ref[...].astype(jnp.float32), wn1_ref[:dh, :],
                         preferred_element_type=jnp.float32)
                 + jnp.dot(ahi_ref[...].astype(jnp.float32), wn1_ref[dh:, :],
                           preferred_element_type=jnp.float32))
        h = s1_ref[...] + agg_w * r
        h = jnp.maximum(h, 0.0)
        o = jnp.dot(h, w2_ref[...], preferred_element_type=jnp.float32)
        s2_ref[...] = o[:, :c2 // 2]
        p2_ref[...] = o[:, c2 // 2:]

    return pl.pallas_call(
        body,
        grid=(n // bn,),
        in_specs=[
            pl.BlockSpec((bn, d), lambda i: (i, 0)),
            pl.BlockSpec((bn, dh), lambda i: (i, 0)),
            pl.BlockSpec((bn, dh), lambda i: (i, 0)),
            pl.BlockSpec((bn, 1), lambda i: (i, 0)),
            pl.BlockSpec((d, d), lambda i: (0, 0)),
            pl.BlockSpec((d, c2), lambda i: (0, 0)),
        ],
        out_specs=[
            pl.BlockSpec((bn, c2 // 2), lambda i: (i, 0)),
            pl.BlockSpec((bn, c2 // 2), lambda i: (i, 0)),
        ],
        out_shape=[
            jax.ShapeDtypeStruct((n, c2 // 2), jnp.float32),
            jax.ShapeDtypeStruct((n, c2 // 2), jnp.float32),
        ],
    )(s1, alo, ahi, deg2, wn1, w2)


def _tc_final(s2, part0, part1, deg2, b2_2d):
    n, c = s2.shape
    bn = 1000

    def body(s2_ref, p0_ref, p1_ref, deg_ref, b2_ref, o_ref):
        r = 1.0 / jnp.maximum(deg_ref[...], 1.0)
        o_ref[...] = s2_ref[...] + (p0_ref[...] + p1_ref[...]) * r + b2_ref[...]

    return pl.pallas_call(
        body,
        grid=(n // bn,),
        in_specs=[
            pl.BlockSpec((bn, c), lambda i: (i, 0)),
            pl.BlockSpec((bn, c), lambda i: (i, 0)),
            pl.BlockSpec((bn, c), lambda i: (i, 0)),
            pl.BlockSpec((bn, 1), lambda i: (i, 0)),
            pl.BlockSpec((1, c), lambda i: (0, 0)),
        ],
        out_specs=pl.BlockSpec((bn, c), lambda i: (i, 0)),
        out_shape=jax.ShapeDtypeStruct((n, c), jnp.float32),
    )(s2, part0, part1, deg2, b2_2d)


def kernel(in_feat, edge_index, W_self1, W_neigh1, b1, W_self2, W_neigh2, b2):
    n, d = in_feat.shape
    c = W_self2.shape[1]
    acc_rows = n + NDUMP
    rows_per_tile = acc_rows // NS
    assert acc_rows % (NS * 8) == 0

    e = edge_index.shape[1]
    e_pad = ((e + NC * NS * CHUNK - 1) // (NC * NS * CHUNK)) * (NC * NS * CHUNK)
    pad = e_pad - e
    pad_src = (jnp.arange(pad, dtype=jnp.int32) * 97) % n
    pad_dst = n + (jnp.arange(pad, dtype=jnp.int32) % NDUMP)
    srcm = jnp.concatenate([edge_index[0], pad_src]).reshape(-1, CHUNK)
    dstm = jnp.concatenate([edge_index[1], pad_dst]).reshape(-1, CHUNK)

    x = in_feat.astype(jnp.float32)
    xlo = in_feat[:, :d // 2].astype(jnp.bfloat16)
    xhi = in_feat[:, d // 2:].astype(jnp.bfloat16)
    z128 = jnp.zeros((rows_per_tile, 128), jnp.bfloat16)
    z1 = jnp.zeros((acc_rows,), jnp.float32)
    zc = jnp.zeros((rows_per_tile, c), jnp.float32)

    alo, ahi, deg = _sc_layer1(xlo, xhi, srcm, dstm, z128, z1,
                               acc_rows, rows_per_tile)
    s1 = _tc_pre(x, W_self1, b1.reshape(1, d))
    deg2 = deg[:n].reshape(n, 1)
    w2 = jnp.concatenate([W_self2, W_neigh2], axis=1)
    s2, p2 = _tc_mid(s1, alo, ahi, deg2, W_neigh1, w2)
    part0, part1 = _sc_layer2(p2, srcm, dstm, zc, acc_rows, rows_per_tile)
    return _tc_final(s2, part0, part1, deg2, b2.reshape(1, c))

# --- scband reference (transcript-rebuilt; emitter-appended) ---
"""Pipeline reference for scband-gcn-sageconv-65661460021799 (READ-ONLY COPY).

The authoritative reference and input builder live on the scoring server;
editing this copy changes nothing except your own understanding.
"""

import jax, jax.numpy as jnp
import numpy as np

N = 10000
E = 160000
D = 256
C = 40


def sage_conv(h, src, dst, W_self, W_neigh, b, num_nodes):
    # DGL SAGEConv with aggregator_type='mean':
    # h_neigh = mean over in-neighbors of h_src; out = fc_self(h) + fc_neigh(h_neigh) + bias
    agg = jax.ops.segment_sum(h[src], dst, num_segments=num_nodes)
    deg = jax.ops.segment_sum(jnp.ones((src.shape[0],), dtype=h.dtype), dst, num_segments=num_nodes)
    h_neigh = agg / jnp.maximum(deg, 1.0)[:, None]
    return h @ W_self + h_neigh @ W_neigh + b


def setup_inputs(seed: int = 0) -> dict:
    key = jax.random.key(seed)
    ks = jax.random.split(key, 10)
    in_feat = jax.random.normal(ks[0], (N, D), dtype=jnp.float32)
    edge_index = jax.random.randint(ks[1], (2, E), 0, N, dtype=jnp.int32)
    s1 = 1.0 / np.sqrt(D)
    W_self1 = jax.random.normal(ks[2], (D, D), dtype=jnp.float32) * s1
    W_neigh1 = jax.random.normal(ks[3], (D, D), dtype=jnp.float32) * s1
    b1 = jnp.zeros((D,), dtype=jnp.float32)
    W_self2 = jax.random.normal(ks[4], (D, C), dtype=jnp.float32) * s1
    W_neigh2 = jax.random.normal(ks[5], (D, C), dtype=jnp.float32) * s1
    b2 = jnp.zeros((C,), dtype=jnp.float32)
    return {"in_feat": in_feat, "edge_index": edge_index,
            "W_self1": W_self1, "W_neigh1": W_neigh1, "b1": b1,
            "W_self2": W_self2, "W_neigh2": W_neigh2, "b2": b2}


def reference(in_feat, edge_index, W_self1, W_neigh1, b1, W_self2, W_neigh2, b2):
    src = edge_index[0]
    dst = edge_index[1]
    h = in_feat.astype(jnp.float32)
    h = sage_conv(h, src, dst, W_self1, W_neigh1, b1, N)
    h = jax.nn.relu(h)
    h = sage_conv(h, src, dst, W_self2, W_neigh2, b2, N)
    return h

if __name__ == "__main__":
    import jax
    _d = setup_inputs()
    print(jax.jit(kernel)(*tuple(_d.values())))

</pallas_src>

<mosaic_0001>
#map = affine_map<(d0, d1) -> (0, 0)>
#map1 = affine_map<(d0, d1) -> (0)>
module attributes {stable_mosaic.version = 14 : i64} {
  func.func @k(%arg0: i32, %arg1: i32, %arg2: memref<10000x128xbf16, #tpu.memory_space<hbm>>, %arg3: memref<10000x128xbf16, #tpu.memory_space<hbm>>, %arg4: memref<1280x128xi32, #tpu.memory_space<hbm>>, %arg5: memref<1280x128xi32, #tpu.memory_space<hbm>>, %arg6: memref<640x128xbf16, #tpu.memory_space<hbm>>, %arg7: memref<10240xf32, #tpu.memory_space<hbm>>, %arg8: memref<10240x128xbf16, #tpu.memory_space<hbm>>, %arg9: memref<10240x128xbf16, #tpu.memory_space<hbm>>, %arg10: memref<10240xf32, #tpu.memory_space<hbm>>, %arg11: memref<80x128xi32, #tpu.memory_space<vmem>>, %arg12: memref<80x128xi32, #tpu.memory_space<vmem>>, %arg13: memref<128x128xbf16, #tpu.memory_space<vmem>>, %arg14: memref<128x128xbf16, #tpu.memory_space<vmem>>, %arg15: memref<128xf32, #tpu.memory_space<vmem>>, %arg16: memref<10240x128xbf16, #tpu.memory_space<vmem_shared>>, %arg17: memref<10240xf32, #tpu.memory_space<vmem_shared>>, %arg18: memref<!tpu.dma_semaphore, #tpu.memory_space<semaphore_mem>>, %arg19: memref<!tpu.dma_semaphore, #tpu.memory_space<semaphore_mem>>) attributes {dimension_semantics = [#tpu.dimension_semantics<core_parallel>, #tpu.dimension_semantics<subcore_parallel>], iteration_bounds = array<i64: 2, 16>, scalar_prefetch = 0 : i64, scratch_operands = 9 : i64, tpu.core_type = #tpu.core_type<sc_vector_subcore>, window_params = [{transform_indices = #map}, {transform_indices = #map}, {transform_indices = #map}, {transform_indices = #map}, {transform_indices = #map}, {transform_indices = #map1}, {transform_indices = #map}, {transform_indices = #map}, {transform_indices = #map1}]} {
    %mul3A = arith.constant 640 : i32
    %mul3A_0 = arith.muli %arg1, %mul3A : i32
    "tpu.region"() ({
      %run_scoped3A = tpu.sem_alloc : memref<!tpu.dma_semaphore, #tpu.memory_space<semaphore_mem>>
      %dma_start3A = arith.constant 0 : i32
      %dma_start3A_72 = tpu.memref_slice %arg16[%mul3A_0, %dma_start3A] : memref<10240x128xbf16, #tpu.memory_space<vmem_shared>> -> memref<640x128xbf16, #tpu.memory_space<vmem_shared>>
      tpu.enqueue_dma source(%arg6 : memref<640x128xbf16, #tpu.memory_space<hbm>>) target(%dma_start3A_72 : memref<640x128xbf16, #tpu.memory_space<vmem_shared>>) target_semaphore(%run_scoped3A : memref<!tpu.dma_semaphore, #tpu.memory_space<semaphore_mem>>)
      %dma_wait3A = arith.constant 0 : i32
      %dma_wait3A_73 = tpu.memref_slice %arg16[%mul3A_0, %dma_wait3A] : memref<10240x128xbf16, #tpu.memory_space<vmem_shared>> -> memref<640x128xbf16, #tpu.memory_space<vmem_shared>>
      tpu.wait_dma2 semaphore(%run_scoped3A : memref<!tpu.dma_semaphore, #tpu.memory_space<semaphore_mem>>) src(%arg6 : memref<640x128xbf16, #tpu.memory_space<hbm>>) dst(%dma_wait3A_73 : memref<640x128xbf16, #tpu.memory_space<vmem_shared>>)
      tpu.yield
    }) : () -> ()
    %eq3A = arith.constant 0 : i32
    %eq3A_1 = arith.cmpi eq, %arg0, %eq3A : i32
    %eq3A_2 = arith.constant 0 : i32
    %eq3A_3 = arith.cmpi eq, %arg1, %eq3A_2 : i32
    %and3A = arith.andi %eq3A_1, %eq3A_3 : i1
    %convert_element_type3A = arith.extui %and3A : i1 to i32
    %cond3A = arith.constant 0 : i32
    %cond3A_4 = arith.cmpi ne, %convert_element_type3A, %cond3A : i32
    scf.if %cond3A_4 {
      "tpu.region"() ({
        %run_scoped3A = tpu.sem_alloc : memref<!tpu.dma_semaphore, #tpu.memory_space<semaphore_mem>>
        tpu.enqueue_dma source(%arg7 : memref<10240xf32, #tpu.memory_space<hbm>>) target(%arg17 : memref<10240xf32, #tpu.memory_space<vmem_shared>>) target_semaphore(%run_scoped3A : memref<!tpu.dma_semaphore, #tpu.memory_space<semaphore_mem>>)
        tpu.wait_dma2 semaphore(%run_scoped3A : memref<!tpu.dma_semaphore, #tpu.memory_space<semaphore_mem>>) src(%arg7 : memref<10240xf32, #tpu.memory_space<hbm>>) dst(%arg17 : memref<10240xf32, #tpu.memory_space<vmem_shared>>)
        tpu.yield
      }) : () -> ()
    } else {
    }
    %broadcast_in_dim3A = arith.constant 1.000000e+00 : f32
    %broadcast_in_dim3A_5 = vector.broadcast %broadcast_in_dim3A : f32 to vector<16xf32>
    %swap3A = arith.constant 0 : index
    %swap3A_6 = tpu.vector_load %arg15[%swap3A] {strides = array<i32>} : memref<128xf32, #tpu.memory_space<vmem>>, vector<16xf32>,
    %swap3A_7 = vector.shape_cast %swap3A_6 : vector<16xf32> to vector<16xf32>
    %swap3A_8 = vector.shape_cast %broadcast_in_dim3A_5 : vector<16xf32> to vector<16xf32>
    tpu.vector_store %arg15[%swap3A], %swap3A_8 {strides = array<i32>} : memref<128xf32, #tpu.memory_space<vmem>>, vector<16xf32>,
    %broadcast_in_dim3A_9 = arith.constant 1.000000e+00 : f32
    %broadcast_in_dim3A_10 = vector.broadcast %broadcast_in_dim3A_9 : f32 to vector<16xf32>
    %swap3A_11 = arith.constant 16 : index
    %swap3A_12 = tpu.vector_load %arg15[%swap3A_11] {strides = array<i32>} : memref<128xf32, #tpu.memory_space<vmem>>, vector<16xf32>,
    %swap3A_13 = vector.shape_cast %swap3A_12 : vector<16xf32> to vector<16xf32>
    %swap3A_14 = vector.shape_cast %broadcast_in_dim3A_10 : vector<16xf32> to vector<16xf32>
    tpu.vector_store %arg15[%swap3A_11], %swap3A_14 {strides = array<i32>} : memref<128xf32, #tpu.memory_space<vmem>>, vector<16xf32>,
    %broadcast_in_dim3A_15 = arith.constant 1.000000e+00 : f32
    %broadcast_in_dim3A_16 = vector.broadcast %broadcast_in_dim3A_15 : f32 to vector<16xf32>
    %swap3A_17 = arith.constant 32 : index
    %swap3A_18 = tpu.vector_load %arg15[%swap3A_17] {strides = array<i32>} : memref<128xf32, #tpu.memory_space<vmem>>, vector<16xf32>,
    %swap3A_19 = vector.shape_cast %swap3A_18 : vector<16xf32> to vector<16xf32>
    %swap3A_20 = vector.shape_cast %broadcast_in_dim3A_16 : vector<16xf32> to vector<16xf32>
    tpu.vector_store %arg15[%swap3A_17], %swap3A_20 {strides = array<i32>} : memref<128xf32, #tpu.memory_space<vmem>>, vector<16xf32>,
    %broadcast_in_dim3A_21 = arith.constant 1.000000e+00 : f32
    %broadcast_in_dim3A_22 = vector.broadcast %broadcast_in_dim3A_21 : f32 to vector<16xf32>
    %swap3A_23 = arith.constant 48 : index
    %swap3A_24 = tpu.vector_load %arg15[%swap3A_23] {strides = array<i32>} : memref<128xf32, #tpu.memory_space<vmem>>, vector<16xf32>,
    %swap3A_25 = vector.shape_cast %swap3A_24 : vector<16xf32> to vector<16xf32>
    %swap3A_26 = vector.shape_cast %broadcast_in_dim3A_22 : vector<16xf32> to vector<16xf32>
    tpu.vector_store %arg15[%swap3A_23], %swap3A_26 {strides = array<i32>} : memref<128xf32, #tpu.memory_space<vmem>>, vector<16xf32>,
    %broadcast_in_dim3A_27 = arith.constant 1.000000e+00 : f32
    %broadcast_in_dim3A_28 = vector.broadcast %broadcast_in_dim3A_27 : f32 to vector<16xf32>
    %swap3A_29 = arith.constant 64 : index
    %swap3A_30 = tpu.vector_load %arg15[%swap3A_29] {strides = array<i32>} : memref<128xf32, #tpu.memory_space<vmem>>, vector<16xf32>,
    %swap3A_31 = vector.shape_cast %swap3A_30 : vector<16xf32> to vector<16xf32>
    %swap3A_32 = vector.shape_cast %broadcast_in_dim3A_28 : vector<16xf32> to vector<16xf32>
    tpu.vector_store %arg15[%swap3A_29], %swap3A_32 {strides = array<i32>} : memref<128xf32, #tpu.memory_space<vmem>>, vector<16xf32>,
    %broadcast_in_dim3A_33 = arith.constant 1.000000e+00 : f32
    %broadcast_in_dim3A_34 = vector.broadcast %broadcast_in_dim3A_33 : f32 to vector<16xf32>
    %swap3A_35 = arith.constant 80 : index
    %swap3A_36 = tpu.vector_load %arg15[%swap3A_35] {strides = array<i32>} : memref<128xf32, #tpu.memory_space<vmem>>, vector<16xf32>,
    %swap3A_37 = vector.shape_cast %swap3A_36 : vector<16xf32> to vector<16xf32>
    %swap3A_38 = vector.shape_cast %broadcast_in_dim3A_34 : vector<16xf32> to vector<16xf32>
    tpu.vector_store %arg15[%swap3A_35], %swap3A_38 {strides = array<i32>} : memref<128xf32, #tpu.memory_space<vmem>>, vector<16xf32>,
    %broadcast_in_dim3A_39 = arith.constant 1.000000e+00 : f32
    %broadcast_in_dim3A_40 = vector.broadcast %broadcast_in_dim3A_39 : f32 to vector<16xf32>
    %swap3A_41 = arith.constant 96 : index
    %swap3A_42 = tpu.vector_load %arg15[%swap3A_41] {strides = array<i32>} : memref<128xf32, #tpu.memory_space<vmem>>, vector<16xf32>,
    %swap3A_43 = vector.shape_cast %swap3A_42 : vector<16xf32> to vector<16xf32>
    %swap3A_44 = vector.shape_cast %broadcast_in_dim3A_40 : vector<16xf32> to vector<16xf32>
    tpu.vector_store %arg15[%swap3A_41], %swap3A_44 {strides = array<i32>} : memref<128xf32, #tpu.memory_space<vmem>>, vector<16xf32>,
    %broadcast_in_dim3A_45 = arith.constant 1.000000e+00 : f32
    %broadcast_in_dim3A_46 = vector.broadcast %broadcast_in_dim3A_45 : f32 to vector<16xf32>
    %swap3A_47 = arith.constant 112 : index
    %swap3A_48 = tpu.vector_load %arg15[%swap3A_47] {strides = array<i32>} : memref<128xf32, #tpu.memory_space<vmem>>, vector<16xf32>,
    %swap3A_49 = vector.shape_cast %swap3A_48 : vector<16xf32> to vector<16xf32>
    %swap3A_50 = vector.shape_cast %broadcast_in_dim3A_46 : vector<16xf32> to vector<16xf32>
    tpu.vector_store %arg15[%swap3A_47], %swap3A_50 {strides = array<i32>} : memref<128xf32, #tpu.memory_space<vmem>>, vector<16xf32>,
    %barrier3A = arith.constant 0 : index
    tpu.barrier barrier_id(%barrier3A)
    %eq3A_51 = arith.constant 0 : i32
    %eq3A_52 = arith.cmpi eq, %arg0, %eq3A_51 : i32
    %convert_element_type3A_53 = arith.extui %eq3A_52 : i1 to i32
    %cond3A_54 = arith.constant 0 : i32
    %cond3A_55 = arith.cmpi ne, %convert_element_type3A_53, %cond3A_54 : i32
    scf.if %cond3A_55 {
      %mul3A_72 = arith.constant 80 : i32
      %mul3A_73 = arith.muli %arg1, %mul3A_72 : i32
      "tpu.region"() ({
        %run_scoped3A = tpu.sem_alloc : memref<!tpu.dma_semaphore, #tpu.memory_space<semaphore_mem>>
        %dma_start3A_91 = arith.constant 0 : i32
        %dma_start3A_92 = arith.constant 0 : i32
        %dma_start3A_93 = tpu.memref_slice %arg11[%dma_start3A_91, %dma_start3A_92] : memref<80x128xi32, #tpu.memory_space<vmem>> -> memref<80x128xi32, #tpu.memory_space<vmem>>
        %dma_start3A_94 = arith.constant 0 : i32
        %dma_start3A_95 = tpu.memref_slice %arg4[%mul3A_73, %dma_start3A_94] : memref<1280x128xi32, #tpu.memory_space<hbm>> -> memref<80x128xi32, #tpu.memory_space<hbm>>
        %dma_start3A_96 = arith.constant 0 : i32
        %dma_start3A_97 = arith.constant 0 : i32
        %dma_start3A_98 = tpu.memref_slice %arg11[%dma_start3A_96, %dma_start3A_97] : memref<80x128xi32, #tpu.memory_space<vmem>> -> memref<80x128xi32, #tpu.memory_space<vmem>>
        %dma_start3A_99 = arith.constant 0 : i32
        %dma_start3A_100 = tpu.memref_slice %arg4[%mul3A_73, %dma_start3A_99] : memref<1280x128xi32, #tpu.memory_space<hbm>> -> memref<80x128xi32, #tpu.memory_space<hbm>>
        tpu.enqueue_dma source(%dma_start3A_100 : memref<80x128xi32, #tpu.memory_space<hbm>>) target(%dma_start3A_98 : memref<80x128xi32, #tpu.memory_space<vmem>>) target_semaphore(%run_scoped3A : memref<!tpu.dma_semaphore, #tpu.memory_space<semaphore_mem>>)
        %dma_wait3A_101 = arith.constant 0 : i32
        %dma_wait3A_102 = arith.constant 0 : i32
        %dma_wait3A_103 = tpu.memref_slice %arg11[%dma_wait3A_101, %dma_wait3A_102] : memref<80x128xi32, #tpu.memory_space<vmem>> -> memref<80x128xi32, #tpu.memory_space<vmem>>
        %dma_wait3A_104 = arith.constant 0 : i32
        %dma_wait3A_105 = tpu.memref_slice %arg4[%mul3A_73, %dma_wait3A_104] : memref<1280x128xi32, #tpu.memory_space<hbm>> -> memref<80x128xi32, #tpu.memory_space<hbm>>
        %dma_wait3A_106 = arith.constant 0 : i32
        %dma_wait3A_107 = arith.constant 0 : i32
        %dma_wait3A_108 = tpu.memref_slice %arg11[%dma_wait3A_106, %dma_wait3A_107] : memref<80x128xi32, #tpu.memory_space<vmem>> -> memref<80x128xi32, #tpu.memory_space<vmem>>
        %dma_wait3A_109 = arith.constant 0 : i32
        %dma_wait3A_110 = tpu.memref_slice %arg4[%mul3A_73, %dma_wait3A_109] : memref<1280x128xi32, #tpu.memory_space<hbm>> -> memref<80x128xi32, #tpu.memory_space<hbm>>
        tpu.wait_dma2 semaphore(%run_scoped3A : memref<!tpu.dma_semaphore, #tpu.memory_space<semaphore_mem>>) src(%dma_wait3A_110 : memref<80x128xi32, #tpu.memory_space<hbm>>) dst(%dma_wait3A_108 : memref<80x128xi32, #tpu.memory_space<vmem>>)
        tpu.yield
      }) : () -> ()
      "tpu.region"() ({
        %run_scoped3A = tpu.sem_alloc : memref<!tpu.dma_semaphore, #tpu.memory_space<semaphore_mem>>
        %dma_start3A_91 = arith.constant 0 : i32
        %dma_start3A_92 = arith.constant 0 : i32
        %dma_start3A_93 = tpu.memref_slice %arg12[%dma_start3A_91, %dma_start3A_92] : memref<80x128xi32, #tpu.memory_space<vmem>> -> memref<80x128xi32, #tpu.memory_space<vmem>>
        %dma_start3A_94 = arith.constant 0 : i32
        %dma_start3A_95 = tpu.memref_slice %arg5[%mul3A_73, %dma_start3A_94] : memref<1280x128xi32, #tpu.memory_space<hbm>> -> memref<80x128xi32, #tpu.memory_space<hbm>>
        %dma_start3A_96 = arith.constant 0 : i32
        %dma_start3A_97 = arith.constant 0 : i32
        %dma_start3A_98 = tpu.memref_slice %arg12[%dma_start3A_96, %dma_start3A_97] : memref<80x128xi32, #tpu.memory_space<vmem>> -> memref<80x128xi32, #tpu.memory_space<vmem>>
        %dma_start3A_99 = arith.constant 0 : i32
        %dma_start3A_100 = tpu.memref_slice %arg5[%mul3A_73, %dma_start3A_99] : memref<1280x128xi32, #tpu.memory_space<hbm>> -> memref<80x128xi32, #tpu.memory_space<hbm>>
        tpu.enqueue_dma source(%dma_start3A_100 : memref<80x128xi32, #tpu.memory_space<hbm>>) target(%dma_start3A_98 : memref<80x128xi32, #tpu.memory_space<vmem>>) target_semaphore(%run_scoped3A : memref<!tpu.dma_semaphore, #tpu.memory_space<semaphore_mem>>)
        %dma_wait3A_101 = arith.constant 0 : i32
        %dma_wait3A_102 = arith.constant 0 : i32
        %dma_wait3A_103 = tpu.memref_slice %arg12[%dma_wait3A_101, %dma_wait3A_102] : memref<80x128xi32, #tpu.memory_space<vmem>> -> memref<80x128xi32, #tpu.memory_space<vmem>>
        %dma_wait3A_104 = arith.constant 0 : i32
        %dma_wait3A_105 = tpu.memref_slice %arg5[%mul3A_73, %dma_wait3A_104] : memref<1280x128xi32, #tpu.memory_space<hbm>> -> memref<80x128xi32, #tpu.memory_space<hbm>>
        %dma_wait3A_106 = arith.constant 0 : i32
        %dma_wait3A_107 = arith.constant 0 : i32
        %dma_wait3A_108 = tpu.memref_slice %arg12[%dma_wait3A_106, %dma_wait3A_107] : memref<80x128xi32, #tpu.memory_space<vmem>> -> memref<80x128xi32, #tpu.memory_space<vmem>>
        %dma_wait3A_109 = arith.constant 0 : i32
        %dma_wait3A_110 = tpu.memref_slice %arg5[%mul3A_73, %dma_wait3A_109] : memref<1280x128xi32, #tpu.memory_space<hbm>> -> memref<80x128xi32, #tpu.memory_space<hbm>>
        tpu.wait_dma2 semaphore(%run_scoped3A : memref<!tpu.dma_semaphore, #tpu.memory_space<semaphore_mem>>) src(%dma_wait3A_110 : memref<80x128xi32, #tpu.memory_space<hbm>>) dst(%dma_wait3A_108 : memref<80x128xi32, #tpu.memory_space<vmem>>)
        tpu.yield
      }) : () -> ()
      %dma_start3A = arith.constant 0 : i32
      %dma_start3A_74 = arith.constant 0 : i32
      %dma_start3A_75 = tpu.memref_slice %arg11[%dma_start3A, %dma_start3A_74] : memref<80x128xi32, #tpu.memory_space<vmem>> -> memref<1x128xi32, #tpu.memory_space<vmem>>
      %dma_start3A_76 = tpu.memref_squeeze %dma_start3A_75 : memref<1x128xi32, #tpu.memory_space<vmem>> -> memref<128xi32, #tpu.memory_space<vmem>>
      %dma_start3A_77 = arith.constant 0 : i32
      %dma_start3A_78 = arith.constant 0 : i32
      %dma_start3A_79 = tpu.memref_slice %arg2[%dma_start3A_77, %dma_start3A_78] : memref<10000x128xbf16, #tpu.memory_space<hbm>> -> memref<10000x128xbf16, #tpu.memory_space<hbm>>
      tpu.enqueue_indirect_dma source(%dma_start3A_79 : memref<10000x128xbf16, #tpu.memory_space<hbm>>) target(%arg13 : memref<128x128xbf16, #tpu.memory_space<vmem>>) offsets(%dma_start3A_76 : memref<128xi32, #tpu.memory_space<vmem>>) semaphore(%arg18 : memref<!tpu.dma_semaphore, #tpu.memory_space<semaphore_mem>>)
      %scan3A = arith.constant 0 : i32
      %scan3A_80 = arith.constant 0 : i32
      %scan3A_81 = arith.constant 40 : i32
      %scan3A_82 = arith.addi %scan3A_80, %scan3A_81 : i32
      %scan3A_83 = arith.constant 1 : i32
      scf.for %scan3A_91 = %scan3A_80 to %scan3A_82 step %scan3A_83  : i32 {
        %mul3A_92 = arith.constant 2 : i32
        %mul3A_93 = arith.muli %mul3A_92, %scan3A_91 : i32
        %add3A = arith.constant 1 : i32
        %add3A_94 = arith.addi %mul3A_93, %add3A : i32
        %dma_start3A_95 = arith.constant 0 : i32
        %dma_start3A_96 = tpu.memref_slice %arg11[%add3A_94, %dma_start3A_95] : memref<80x128xi32, #tpu.memory_space<vmem>> -> memref<1x128xi32, #tpu.memory_space<vmem>>
        %dma_start3A_97 = tpu.memref_squeeze %dma_start3A_96 : memref<1x128xi32, #tpu.memory_space<vmem>> -> memref<128xi32, #tpu.memory_space<vmem>>
        %dma_start3A_98 = arith.constant 0 : i32
        %dma_start3A_99 = arith.constant 0 : i32
        %dma_start3A_100 = tpu.memref_slice %arg2[%dma_start3A_98, %dma_start3A_99] : memref<10000x128xbf16, #tpu.memory_space<hbm>> -> memref<10000x128xbf16, #tpu.memory_space<hbm>>
        tpu.enqueue_indirect_dma source(%dma_start3A_100 : memref<10000x128xbf16, #tpu.memory_space<hbm>>) target(%arg14 : memref<128x128xbf16, #tpu.memory_space<vmem>>) offsets(%dma_start3A_97 : memref<128xi32, #tpu.memory_space<vmem>>) semaphore(%arg19 : memref<!tpu.dma_semaphore, #tpu.memory_space<semaphore_mem>>)
        %dma_wait3A_101 = arith.constant 0 : i32
        %dma_wait3A_102 = tpu.memref_slice %arg11[%mul3A_93, %dma_wait3A_101] : memref<80x128xi32, #tpu.memory_space<vmem>> -> memref<1x128xi32, #tpu.memory_space<vmem>>
        %dma_wait3A_103 = tpu.memref_squeeze %dma_wait3A_102 : memref<1x128xi32, #tpu.memory_space<vmem>> -> memref<128xi32, #tpu.memory_space<vmem>>
        %dma_wait3A_104 = arith.constant 0 : i32
        %dma_wait3A_105 = arith.constant 0 : i32
        %dma_wait3A_106 = tpu.memref_slice %arg2[%dma_wait3A_104, %dma_wait3A_105] : memref<10000x128xbf16, #tpu.memory_space<hbm>> -> memref<10000x128xbf16, #tpu.memory_space<hbm>>
        tpu.wait_indirect_dma semaphore(%arg18 : memref<!tpu.dma_semaphore, #tpu.memory_space<semaphore_mem>>) src(%dma_wait3A_106 : memref<10000x128xbf16, #tpu.memory_space<hbm>>) dst(%arg13 : memref<128x128xbf16, #tpu.memory_space<vmem>>)
        "tpu.region"() ({
          %run_scoped3A = tpu.sem_alloc : memref<!tpu.dma_semaphore, #tpu.memory_space<semaphore_mem>>
          %dma_start3A_124 = arith.constant 0 : i32
          %dma_start3A_125 = tpu.memref_slice %arg12[%mul3A_93, %dma_start3A_124] : memref<80x128xi32, #tpu.memory_space<vmem>> -> memref<1x128xi32, #tpu.memory_space<vmem>>
          %dma_start3A_126 = tpu.memref_squeeze %dma_start3A_125 : memref<1x128xi32, #tpu.memory_space<vmem>> -> memref<128xi32, #tpu.memory_space<vmem>>
          %dma_start3A_127 = arith.constant 0 : i32
          %dma_start3A_128 = arith.constant 0 : i32
          %dma_start3A_129 = tpu.memref_slice %arg16[%dma_start3A_127, %dma_start3A_128] : memref<10240x128xbf16, #tpu.memory_space<vmem_shared>> -> memref<10240x128xbf16, #tpu.memory_space<vmem_shared>>
          tpu.enqueue_indirect_dma source(%arg13 : memref<128x128xbf16, #tpu.memory_space<vmem>>) target(%dma_start3A_129 : memref<10240x128xbf16, #tpu.memory_space<vmem_shared>>) offsets(%dma_start3A_126 : memref<128xi32, #tpu.memory_space<vmem>>) semaphore(%run_scoped3A : memref<!tpu.dma_semaphore, #tpu.memory_space<semaphore_mem>>) {add = true}
          %dma_wait3A_130 = arith.constant 0 : i32
          %dma_wait3A_131 = tpu.memref_slice %arg12[%mul3A_93, %dma_wait3A_130] : memref<80x128xi32, #tpu.memory_space<vmem>> -> memref<1x128xi32, #tpu.memory_space<vmem>>
          %dma_wait3A_132 = tpu.memref_squeeze %dma_wait3A_131 : memref<1x128xi32, #tpu.memory_space<vmem>> -> memref<128xi32, #tpu.memory_space<vmem>>
          %dma_wait3A_133 = arith.constant 0 : i32
          %dma_wait3A_134 = arith.constant 0 : i32
          %dma_wait3A_135 = tpu.memref_slice %arg16[%dma_wait3A_133, %dma_wait3A_134] : memref<10240x128xbf16, #tpu.memory_space<vmem_shared>> -> memref<10240x128xbf16, #tpu.memory_space<vmem_shared>>
          tpu.wait_indirect_dma semaphore(%run_scoped3A : memref<!tpu.dma_semaphore, #tpu.memory_space<semaphore_mem>>) src(%arg13 : memref<128x128xbf16, #tpu.memory_space<vmem>>) dst(%dma_wait3A_135 : memref<10240x128xbf16, #tpu.memory_space<vmem_shared>>)
          tpu.yield
        }) : () -> ()
        "tpu.region"() ({
          %run_scoped3A = tpu.sem_alloc : memref<!tpu.dma_semaphore, #tpu.memory_space<semaphore_mem>>
          %dma_start3A_124 = arith.constant 0 : i32
          %dma_start3A_125 = tpu.memref_slice %arg12[%mul3A_93, %dma_start3A_124] : memref<80x128xi32, #tpu.memory_space<vmem>> -> memref<1x128xi32, #tpu.memory_space<vmem>>
          %dma_start3A_126 = tpu.memref_squeeze %dma_start3A_125 : memref<1x128xi32, #tpu.memory_space<vmem>> -> memref<128xi32, #tpu.memory_space<vmem>>
          %dma_start3A_127 = arith.constant 0 : i32
          %dma_start3A_128 = tpu.memref_slice %arg17[%dma_start3A_127] : memref<10240xf32, #tpu.memory_space<vmem_shared>> -> memref<10240xf32, #tpu.memory_space<vmem_shared>>
          tpu.enqueue_indirect_dma source(%arg15 : memref<128xf32, #tpu.memory_space<vmem>>) target(%dma_start3A_128 : memref<10240xf32, #tpu.memory_space<vmem_shared>>) offsets(%dma_start3A_126 : memref<128xi32, #tpu.memory_space<vmem>>) semaphore(%run_scoped3A : memref<!tpu.dma_semaphore, #tpu.memory_space<semaphore_mem>>) {add = true}
          %dma_wait3A_129 = arith.constant 0 : i32
          %dma_wait3A_130 = tpu.memref_slice %arg12[%mul3A_93, %dma_wait3A_129] : memref<80x128xi32, #tpu.memory_space<vmem>> -> memref<1x128xi32, #tpu.memory_space<vmem>>
          %dma_wait3A_131 = tpu.memref_squeeze %dma_wait3A_130 : memref<1x128xi32, #tpu.memory_space<vmem>> -> memref<128xi32, #tpu.memory_space<vmem>>
          %dma_wait3A_132 = arith.constant 0 : i32
          %dma_wait3A_133 = tpu.memref_slice %arg17[%dma_wait3A_132] : memref<10240xf32, #tpu.memory_space<vmem_shared>> -> memref<10240xf32, #tpu.memory_space<vmem_shared>>
          tpu.wait_indirect_dma semaphore(%run_scoped3A : memref<!tpu.dma_semaphore, #tpu.memory_space<semaphore_mem>>) src(%arg15 : memref<128xf32, #tpu.memory_space<vmem>>) dst(%dma_wait3A_133 : memref<10240xf32, #tpu.memory_space<vmem_shared>>)
          tpu.yield
        }) : () -> ()
        %add3A_107 = arith.constant 2 : i32
        %add3A_108 = arith.addi %mul3A_93, %add3A_107 : i32
        %min3A = arith.constant 79 : i32
        %min3A_109 = arith.minsi %add3A_108, %min3A : i32
        %dma_start3A_110 = arith.constant 0 : i32
        %dma_start3A_111 = tpu.memref_slice %arg11[%min3A_109, %dma_start3A_110] : memref<80x128xi32, #tpu.memory_space<vmem>> -> memref<1x128xi32, #tpu.memory_space<vmem>>
        %dma_start3A_112 = tpu.memref_squeeze %dma_start3A_111 : memref<1x128xi32, #tpu.memory_space<vmem>> -> memref<128xi32, #tpu.memory_space<vmem>>
        %dma_start3A_113 = arith.constant 0 : i32
        %dma_start3A_114 = arith.constant 0 : i32
        %dma_start3A_115 = tpu.memref_slice %arg2[%dma_start3A_113, %dma_start3A_114] : memref<10000x128xbf16, #tpu.memory_space<hbm>> -> memref<10000x128xbf16, #tpu.memory_space<hbm>>
        tpu.enqueue_indirect_dma source(%dma_start3A_115 : memref<10000x128xbf16, #tpu.memory_space<hbm>>) target(%arg13 : memref<128x128xbf16, #tpu.memory_space<vmem>>) offsets(%dma_start3A_112 : memref<128xi32, #tpu.memory_space<vmem>>) semaphore(%arg18 : memref<!tpu.dma_semaphore, #tpu.memory_space<semaphore_mem>>)
        %add3A_116 = arith.constant 1 : i32
        %add3A_117 = arith.addi %mul3A_93, %add3A_116 : i32
        %dma_wait3A_118 = arith.constant 0 : i32
        %dma_wait3A_119 = tpu.memref_slice %arg11[%add3A_117, %dma_wait3A_118] : memref<80x128xi32, #tpu.memory_space<vmem>> -> memref<1x128xi32, #tpu.memory_space<vmem>>
        %dma_wait3A_120 = tpu.memref_squeeze %dma_wait3A_119 : memref<1x128xi32, #tpu.memory_space<vmem>> -> memref<128xi32, #tpu.memory_space<vmem>>
        %dma_wait3A_121 = arith.constant 0 : i32
        %dma_wait3A_122 = arith.constant 0 : i32
        %dma_wait3A_123 = tpu.memref_slice %arg2[%dma_wait3A_121, %dma_wait3A_122] : memref<10000x128xbf16, #tpu.memory_space<hbm>> -> memref<10000x128xbf16, #tpu.memory_space<hbm>>
        tpu.wait_indirect_dma semaphore(%arg19 : memref<!tpu.dma_semaphore, #tpu.memory_space<semaphore_mem>>) src(%dma_wait3A_123 : memref<10000x128xbf16, #tpu.memory_space<hbm>>) dst(%arg14 : memref<128x128xbf16, #tpu.memory_space<vmem>>)
        "tpu.region"() ({
          %run_scoped3A = tpu.sem_alloc : memref<!tpu.dma_semaphore, #tpu.memory_space<semaphore_mem>>
          %dma_start3A_124 = arith.constant 0 : i32
          %dma_start3A_125 = tpu.memref_slice %arg12[%add3A_117, %dma_start3A_124] : memref<80x128xi32, #tpu.memory_space<vmem>> -> memref<1x128xi32, #tpu.memory_space<vmem>>
          %dma_start3A_126 = tpu.memref_squeeze %dma_start3A_125 : memref<1x128xi32, #tpu.memory_space<vmem>> -> memref<128xi32, #tpu.memory_space<vmem>>
          %dma_start3A_127 = arith.constant 0 : i32
          %dma_start3A_128 = arith.constant 0 : i32
          %dma_start3A_129 = tpu.memref_slice %arg16[%dma_start3A_127, %dma_start3A_128] : memref<10240x128xbf16, #tpu.memory_space<vmem_shared>> -> memref<10240x128xbf16, #tpu.memory_space<vmem_shared>>
          tpu.enqueue_indirect_dma source(%arg14 : memref<128x128xbf16, #tpu.memory_space<vmem>>) target(%dma_start3A_129 : memref<10240x128xbf16, #tpu.memory_space<vmem_shared>>) offsets(%dma_start3A_126 : memref<128xi32, #tpu.memory_space<vmem>>) semaphore(%run_scoped3A : memref<!tpu.dma_semaphore, #tpu.memory_space<semaphore_mem>>) {add = true}
          %dma_wait3A_130 = arith.constant 0 : i32
          %dma_wait3A_131 = tpu.memref_slice %arg12[%add3A_117, %dma_wait3A_130] : memref<80x128xi32, #tpu.memory_space<vmem>> -> memref<1x128xi32, #tpu.memory_space<vmem>>
          %dma_wait3A_132 = tpu.memref_squeeze %dma_wait3A_131 : memref<1x128xi32, #tpu.memory_space<vmem>> -> memref<128xi32, #tpu.memory_space<vmem>>
          %dma_wait3A_133 = arith.constant 0 : i32
          %dma_wait3A_134 = arith.constant 0 : i32
          %dma_wait3A_135 = tpu.memref_slice %arg16[%dma_wait3A_133, %dma_wait3A_134] : memref<10240x128xbf16, #tpu.memory_space<vmem_shared>> -> memref<10240x128xbf16, #tpu.memory_space<vmem_shared>>
          tpu.wait_indirect_dma semaphore(%run_scoped3A : memref<!tpu.dma_semaphore, #tpu.memory_space<semaphore_mem>>) src(%arg14 : memref<128x128xbf16, #tpu.memory_space<vmem>>) dst(%dma_wait3A_135 : memref<10240x128xbf16, #tpu.memory_space<vmem_shared>>)
          tpu.yield
        }) : () -> ()
        "tpu.region"() ({
          %run_scoped3A = tpu.sem_alloc : memref<!tpu.dma_semaphore, #tpu.memory_space<semaphore_mem>>
          %dma_start3A_124 = arith.constant 0 : i32
          %dma_start3A_125 = tpu.memref_slice %arg12[%add3A_117, %dma_start3A_124] : memref<80x128xi32, #tpu.memory_space<vmem>> -> memref<1x128xi32, #tpu.memory_space<vmem>>
          %dma_start3A_126 = tpu.memref_squeeze %dma_start3A_125 : memref<1x128xi32, #tpu.memory_space<vmem>> -> memref<128xi32, #tpu.memory_space<vmem>>
          %dma_start3A_127 = arith.constant 0 : i32
          %dma_start3A_128 = tpu.memref_slice %arg17[%dma_start3A_127] : memref<10240xf32, #tpu.memory_space<vmem_shared>> -> memref<10240xf32, #tpu.memory_space<vmem_shared>>
          tpu.enqueue_indirect_dma source(%arg15 : memref<128xf32, #tpu.memory_space<vmem>>) target(%dma_start3A_128 : memref<10240xf32, #tpu.memory_space<vmem_shared>>) offsets(%dma_start3A_126 : memref<128xi32, #tpu.memory_space<vmem>>) semaphore(%run_scoped3A : memref<!tpu.dma_semaphore, #tpu.memory_space<semaphore_mem>>) {add = true}
          %dma_wait3A_129 = arith.constant 0 : i32
          %dma_wait3A_130 = tpu.memref_slice %arg12[%add3A_117, %dma_wait3A_129] : memref<80x128xi32, #tpu.memory_space<vmem>> -> memref<1x128xi32, #tpu.memory_space<vmem>>
          %dma_wait3A_131 = tpu.memref_squeeze %dma_wait3A_130 : memref<1x128xi32, #tpu.memory_space<vmem>> -> memref<128xi32, #tpu.memory_space<vmem>>
          %dma_wait3A_132 = arith.constant 0 : i32
          %dma_wait3A_133 = tpu.memref_slice %arg17[%dma_wait3A_132] : memref<10240xf32, #tpu.memory_space<vmem_shared>> -> memref<10240xf32, #tpu.memory_space<vmem_shared>>
          tpu.wait_indirect_dma semaphore(%run_scoped3A : memref<!tpu.dma_semaphore, #tpu.memory_space<semaphore_mem>>) src(%arg15 : memref<128xf32, #tpu.memory_space<vmem>>) dst(%dma_wait3A_133 : memref<10240xf32, #tpu.memory_space<vmem_shared>>)
          tpu.yield
        }) : () -> ()
      }
      %scan3A_84 = arith.constant 40 : i32
      %dma_wait3A = arith.constant 79 : i32
      %dma_wait3A_85 = arith.constant 0 : i32
      %dma_wait3A_86 = tpu.memref_slice %arg11[%dma_wait3A, %dma_wait3A_85] : memref<80x128xi32, #tpu.memory_space<vmem>> -> memref<1x128xi32, #tpu.memory_space<vmem>>
      %dma_wait3A_87 = tpu.memref_squeeze %dma_wait3A_86 : memref<1x128xi32, #tpu.memory_space<vmem>> -> memref<128xi32, #tpu.memory_space<vmem>>
      %dma_wait3A_88 = arith.constant 0 : i32
      %dma_wait3A_89 = arith.constant 0 : i32
      %dma_wait3A_90 = tpu.memref_slice %arg2[%dma_wait3A_88, %dma_wait3A_89] : memref<10000x128xbf16, #tpu.memory_space<hbm>> -> memref<10000x128xbf16, #tpu.memory_space<hbm>>
      tpu.wait_indirect_dma semaphore(%arg18 : memref<!tpu.dma_semaphore, #tpu.memory_space<semaphore_mem>>) src(%dma_wait3A_90 : memref<10000x128xbf16, #tpu.memory_space<hbm>>) dst(%arg13 : memref<128x128xbf16, #tpu.memory_space<vmem>>)
    } else {
    }
    %eq3A_56 = arith.constant 1 : i32
    %eq3A_57 = arith.cmpi eq, %arg0, %eq3A_56 : i32
    %convert_element_type3A_58 = arith.extui %eq3A_57 : i1 to i32
    %cond3A_59 = arith.constant 0 : i32
    %cond3A_60 = arith.cmpi ne, %convert_element_type3A_58, %cond3A_59 : i32
    scf.if %cond3A_60 {
      %mul3A_72 = arith.constant 80 : i32
      %mul3A_73 = arith.muli %arg1, %mul3A_72 : i32
      "tpu.region"() ({
        %run_scoped3A = tpu.sem_alloc : memref<!tpu.dma_semaphore, #tpu.memory_space<semaphore_mem>>
        %dma_start3A_91 = arith.constant 0 : i32
        %dma_start3A_92 = arith.constant 0 : i32
        %dma_start3A_93 = tpu.memref_slice %arg11[%dma_start3A_91, %dma_start3A_92] : memref<80x128xi32, #tpu.memory_space<vmem>> -> memref<80x128xi32, #tpu.memory_space<vmem>>
        %dma_start3A_94 = arith.constant 0 : i32
        %dma_start3A_95 = tpu.memref_slice %arg4[%mul3A_73, %dma_start3A_94] : memref<1280x128xi32, #tpu.memory_space<hbm>> -> memref<80x128xi32, #tpu.memory_space<hbm>>
        %dma_start3A_96 = arith.constant 0 : i32
        %dma_start3A_97 = arith.constant 0 : i32
        %dma_start3A_98 = tpu.memref_slice %arg11[%dma_start3A_96, %dma_start3A_97] : memref<80x128xi32, #tpu.memory_space<vmem>> -> memref<80x128xi32, #tpu.memory_space<vmem>>
        %dma_start3A_99 = arith.constant 0 : i32
        %dma_start3A_100 = tpu.memref_slice %arg4[%mul3A_73, %dma_start3A_99] : memref<1280x128xi32, #tpu.memory_space<hbm>> -> memref<80x128xi32, #tpu.memory_space<hbm>>
        tpu.enqueue_dma source(%dma_start3A_100 : memref<80x128xi32, #tpu.memory_space<hbm>>) target(%dma_start3A_98 : memref<80x128xi32, #tpu.memory_space<vmem>>) target_semaphore(%run_scoped3A : memref<!tpu.dma_semaphore, #tpu.memory_space<semaphore_mem>>)
        %dma_wait3A_101 = arith.constant 0 : i32
        %dma_wait3A_102 = arith.constant 0 : i32
        %dma_wait3A_103 = tpu.memref_slice %arg11[%dma_wait3A_101, %dma_wait3A_102] : memref<80x128xi32, #tpu.memory_space<vmem>> -> memref<80x128xi32, #tpu.memory_space<vmem>>
        %dma_wait3A_104 = arith.constant 0 : i32
        %dma_wait3A_105 = tpu.memref_slice %arg4[%mul3A_73, %dma_wait3A_104] : memref<1280x128xi32, #tpu.memory_space<hbm>> -> memref<80x128xi32, #tpu.memory_space<hbm>>
        %dma_wait3A_106 = arith.constant 0 : i32
        %dma_wait3A_107 = arith.constant 0 : i32
        %dma_wait3A_108 = tpu.memref_slice %arg11[%dma_wait3A_106, %dma_wait3A_107] : memref<80x128xi32, #tpu.memory_space<vmem>> -> memref<80x128xi32, #tpu.memory_space<vmem>>
        %dma_wait3A_109 = arith.constant 0 : i32
        %dma_wait3A_110 = tpu.memref_slice %arg4[%mul3A_73, %dma_wait3A_109] : memref<1280x128xi32, #tpu.memory_space<hbm>> -> memref<80x128xi32, #tpu.memory_space<hbm>>
        tpu.wait_dma2 semaphore(%run_scoped3A : memref<!tpu.dma_semaphore, #tpu.memory_space<semaphore_mem>>) src(%dma_wait3A_110 : memref<80x128xi32, #tpu.memory_space<hbm>>) dst(%dma_wait3A_108 : memref<80x128xi32, #tpu.memory_space<vmem>>)
        tpu.yield
      }) : () -> ()
      "tpu.region"() ({
        %run_scoped3A = tpu.sem_alloc : memref<!tpu.dma_semaphore, #tpu.memory_space<semaphore_mem>>
        %dma_start3A_91 = arith.constant 0 : i32
        %dma_start3A_92 = arith.constant 0 : i32
        %dma_start3A_93 = tpu.memref_slice %arg12[%dma_start3A_91, %dma_start3A_92] : memref<80x128xi32, #tpu.memory_space<vmem>> -> memref<80x128xi32, #tpu.memory_space<vmem>>
        %dma_start3A_94 = arith.constant 0 : i32
        %dma_start3A_95 = tpu.memref_slice %arg5[%mul3A_73, %dma_start3A_94] : memref<1280x128xi32, #tpu.memory_space<hbm>> -> memref<80x128xi32, #tpu.memory_space<hbm>>
        %dma_start3A_96 = arith.constant 0 : i32
        %dma_start3A_97 = arith.constant 0 : i32
        %dma_start3A_98 = tpu.memref_slice %arg12[%dma_start3A_96, %dma_start3A_97] : memref<80x128xi32, #tpu.memory_space<vmem>> -> memref<80x128xi32, #tpu.memory_space<vmem>>
        %dma_start3A_99 = arith.constant 0 : i32
        %dma_start3A_100 = tpu.memref_slice %arg5[%mul3A_73, %dma_start3A_99] : memref<1280x128xi32, #tpu.memory_space<hbm>> -> memref<80x128xi32, #tpu.memory_space<hbm>>
        tpu.enqueue_dma source(%dma_start3A_100 : memref<80x128xi32, #tpu.memory_space<hbm>>) target(%dma_start3A_98 : memref<80x128xi32, #tpu.memory_space<vmem>>) target_semaphore(%run_scoped3A : memref<!tpu.dma_semaphore, #tpu.memory_space<semaphore_mem>>)
        %dma_wait3A_101 = arith.constant 0 : i32
        %dma_wait3A_102 = arith.constant 0 : i32
        %dma_wait3A_103 = tpu.memref_slice %arg12[%dma_wait3A_101, %dma_wait3A_102] : memref<80x128xi32, #tpu.memory_space<vmem>> -> memref<80x128xi32, #tpu.memory_space<vmem>>
        %dma_wait3A_104 = arith.constant 0 : i32
        %dma_wait3A_105 = tpu.memref_slice %arg5[%mul3A_73, %dma_wait3A_104] : memref<1280x128xi32, #tpu.memory_space<hbm>> -> memref<80x128xi32, #tpu.memory_space<hbm>>
        %dma_wait3A_106 = arith.constant 0 : i32
        %dma_wait3A_107 = arith.constant 0 : i32
        %dma_wait3A_108 = tpu.memref_slice %arg12[%dma_wait3A_106, %dma_wait3A_107] : memref<80x128xi32, #tpu.memory_space<vmem>> -> memref<80x128xi32, #tpu.memory_space<vmem>>
        %dma_wait3A_109 = arith.constant 0 : i32
        %dma_wait3A_110 = tpu.memref_slice %arg5[%mul3A_73, %dma_wait3A_109] : memref<1280x128xi32, #tpu.memory_space<hbm>> -> memref<80x128xi32, #tpu.memory_space<hbm>>
        tpu.wait_dma2 semaphore(%run_scoped3A : memref<!tpu.dma_semaphore, #tpu.memory_space<semaphore_mem>>) src(%dma_wait3A_110 : memref<80x128xi32, #tpu.memory_space<hbm>>) dst(%dma_wait3A_108 : memref<80x128xi32, #tpu.memory_space<vmem>>)
        tpu.yield
      }) : () -> ()
      %dma_start3A = arith.constant 0 : i32
      %dma_start3A_74 = arith.constant 0 : i32
      %dma_start3A_75 = tpu.memref_slice %arg11[%dma_start3A, %dma_start3A_74] : memref<80x128xi32, #tpu.memory_space<vmem>> -> memref<1x128xi32, #tpu.memory_space<vmem>>
      %dma_start3A_76 = tpu.memref_squeeze %dma_start3A_75 : memref<1x128xi32, #tpu.memory_space<vmem>> -> memref<128xi32, #tpu.memory_space<vmem>>
      %dma_start3A_77 = arith.constant 0 : i32
      %dma_start3A_78 = arith.constant 0 : i32
      %dma_start3A_79 = tpu.memref_slice %arg3[%dma_start3A_77, %dma_start3A_78] : memref<10000x128xbf16, #tpu.memory_space<hbm>> -> memref<10000x128xbf16, #tpu.memory_space<hbm>>
      tpu.enqueue_indirect_dma source(%dma_start3A_79 : memref<10000x128xbf16, #tpu.memory_space<hbm>>) target(%arg13 : memref<128x128xbf16, #tpu.memory_space<vmem>>) offsets(%dma_start3A_76 : memref<128xi32, #tpu.memory_space<vmem>>) semaphore(%arg18 : memref<!tpu.dma_semaphore, #tpu.memory_space<semaphore_mem>>)
      %scan3A = arith.constant 0 : i32
      %scan3A_80 = arith.constant 0 : i32
      %scan3A_81 = arith.constant 40 : i32
      %scan3A_82 = arith.addi %scan3A_80, %scan3A_81 : i32
      %scan3A_83 = arith.constant 1 : i32
      scf.for %scan3A_91 = %scan3A_80 to %scan3A_82 step %scan3A_83  : i32 {
        %mul3A_92 = arith.constant 2 : i32
        %mul3A_93 = arith.muli %mul3A_92, %scan3A_91 : i32
        %add3A = arith.constant 1 : i32
        %add3A_94 = arith.addi %mul3A_93, %add3A : i32
        %dma_start3A_95 = arith.constant 0 : i32
        %dma_start3A_96 = tpu.memref_slice %arg11[%add3A_94, %dma_start3A_95] : memref<80x128xi32, #tpu.memory_space<vmem>> -> memref<1x128xi32, #tpu.memory_space<vmem>>
        %dma_start3A_97 = tpu.memref_squeeze %dma_start3A_96 : memref<1x128xi32, #tpu.memory_space<vmem>> -> memref<128xi32, #tpu.memory_space<vmem>>
        %dma_start3A_98 = arith.constant 0 : i32
        %dma_start3A_99 = arith.constant 0 : i32
        %dma_start3A_100 = tpu.memref_slice %arg3[%dma_start3A_98, %dma_start3A_99] : memref<10000x128xbf16, #tpu.memory_space<hbm>> -> memref<10000x128xbf16, #tpu.memory_space<hbm>>
        tpu.enqueue_indirect_dma source(%dma_start3A_100 : memref<10000x128xbf16, #tpu.memory_space<hbm>>) target(%arg14 : memref<128x128xbf16, #tpu.memory_space<vmem>>) offsets(%dma_start3A_97 : memref<128xi32, #tpu.memory_space<vmem>>) semaphore(%arg19 : memref<!tpu.dma_semaphore, #tpu.memory_space<semaphore_mem>>)
        %dma_wait3A_101 = arith.constant 0 : i32
        %dma_wait3A_102 = tpu.memref_slice %arg11[%mul3A_93, %dma_wait3A_101] : memref<80x128xi32, #tpu.memory_space<vmem>> -> memref<1x128xi32, #tpu.memory_space<vmem>>
        %dma_wait3A_103 = tpu.memref_squeeze %dma_wait3A_102 : memref<1x128xi32, #tpu.memory_space<vmem>> -> memref<128xi32, #tpu.memory_space<vmem>>
        %dma_wait3A_104 = arith.constant 0 : i32
        %dma_wait3A_105 = arith.constant 0 : i32
        %dma_wait3A_106 = tpu.memref_slice %arg3[%dma_wait3A_104, %dma_wait3A_105] : memref<10000x128xbf16, #tpu.memory_space<hbm>> -> memref<10000x128xbf16, #tpu.memory_space<hbm>>
        tpu.wait_indirect_dma semaphore(%arg18 : memref<!tpu.dma_semaphore, #tpu.memory_space<semaphore_mem>>) src(%dma_wait3A_106 : memref<10000x128xbf16, #tpu.memory_space<hbm>>) dst(%arg13 : memref<128x128xbf16, #tpu.memory_space<vmem>>)
        "tpu.region"() ({
          %run_scoped3A = tpu.sem_alloc : memref<!tpu.dma_semaphore, #tpu.memory_space<semaphore_mem>>
          %dma_start3A_124 = arith.constant 0 : i32
          %dma_start3A_125 = tpu.memref_slice %arg12[%mul3A_93, %dma_start3A_124] : memref<80x128xi32, #tpu.memory_space<vmem>> -> memref<1x128xi32, #tpu.memory_space<vmem>>
          %dma_start3A_126 = tpu.memref_squeeze %dma_start3A_125 : memref<1x128xi32, #tpu.memory_space<vmem>> -> memref<128xi32, #tpu.memory_space<vmem>>
          %dma_start3A_127 = arith.constant 0 : i32
          %dma_start3A_128 = arith.constant 0 : i32
          %dma_start3A_129 = tpu.memref_slice %arg16[%dma_start3A_127, %dma_start3A_128] : memref<10240x128xbf16, #tpu.memory_space<vmem_shared>> -> memref<10240x128xbf16, #tpu.memory_space<vmem_shared>>
          tpu.enqueue_indirect_dma source(%arg13 : memref<128x128xbf16, #tpu.memory_space<vmem>>) target(%dma_start3A_129 : memref<10240x128xbf16, #tpu.memory_space<vmem_shared>>) offsets(%dma_start3A_126 : memref<128xi32, #tpu.memory_space<vmem>>) semaphore(%run_scoped3A : memref<!tpu.dma_semaphore, #tpu.memory_space<semaphore_mem>>) {add = true}
          %dma_wait3A_130 = arith.constant 0 : i32
          %dma_wait3A_131 = tpu.memref_slice %arg12[%mul3A_93, %dma_wait3A_130] : memref<80x128xi32, #tpu.memory_space<vmem>> -> memref<1x128xi32, #tpu.memory_space<vmem>>
          %dma_wait3A_132 = tpu.memref_squeeze %dma_wait3A_131 : memref<1x128xi32, #tpu.memory_space<vmem>> -> memref<128xi32, #tpu.memory_space<vmem>>
          %dma_wait3A_133 = arith.constant 0 : i32
          %dma_wait3A_134 = arith.constant 0 : i32
          %dma_wait3A_135 = tpu.memref_slice %arg16[%dma_wait3A_133, %dma_wait3A_134] : memref<10240x128xbf16, #tpu.memory_space<vmem_shared>> -> memref<10240x128xbf16, #tpu.memory_space<vmem_shared>>
          tpu.wait_indirect_dma semaphore(%run_scoped3A : memref<!tpu.dma_semaphore, #tpu.memory_space<semaphore_mem>>) src(%arg13 : memref<128x128xbf16, #tpu.memory_space<vmem>>) dst(%dma_wait3A_135 : memref<10240x128xbf16, #tpu.memory_space<vmem_shared>>)
          tpu.yield
        }) : () -> ()
        %add3A_107 = arith.constant 2 : i32
        %add3A_108 = arith.addi %mul3A_93, %add3A_107 : i32
        %min3A = arith.constant 79 : i32
        %min3A_109 = arith.minsi %add3A_108, %min3A : i32
        %dma_start3A_110 = arith.constant 0 : i32
        %dma_start3A_111 = tpu.memref_slice %arg11[%min3A_109, %dma_start3A_110] : memref<80x128xi32, #tpu.memory_space<vmem>> -> memref<1x128xi32, #tpu.memory_space<vmem>>
        %dma_start3A_112 = tpu.memref_squeeze %dma_start3A_111 : memref<1x128xi32, #tpu.memory_space<vmem>> -> memref<128xi32, #tpu.memory_space<vmem>>
        %dma_start3A_113 = arith.constant 0 : i32
        %dma_start3A_114 = arith.constant 0 : i32
        %dma_start3A_115 = tpu.memref_slice %arg3[%dma_start3A_113, %dma_start3A_114] : memref<10000x128xbf16, #tpu.memory_space<hbm>> -> memref<10000x128xbf16, #tpu.memory_space<hbm>>
        tpu.enqueue_indirect_dma source(%dma_start3A_115 : memref<10000x128xbf16, #tpu.memory_space<hbm>>) target(%arg13 : memref<128x128xbf16, #tpu.memory_space<vmem>>) offsets(%dma_start3A_112 : memref<128xi32, #tpu.memory_space<vmem>>) semaphore(%arg18 : memref<!tpu.dma_semaphore, #tpu.memory_space<semaphore_mem>>)
        %add3A_116 = arith.constant 1 : i32
        %add3A_117 = arith.addi %mul3A_93, %add3A_116 : i32
        %dma_wait3A_118 = arith.constant 0 : i32
        %dma_wait3A_119 = tpu.memref_slice %arg11[%add3A_117, %dma_wait3A_118] : memref<80x128xi32, #tpu.memory_space<vmem>> -> memref<1x128xi32, #tpu.memory_space<vmem>>
        %dma_wait3A_120 = tpu.memref_squeeze %dma_wait3A_119 : memref<1x128xi32, #tpu.memory_space<vmem>> -> memref<128xi32, #tpu.memory_space<vmem>>
        %dma_wait3A_121 = arith.constant 0 : i32
        %dma_wait3A_122 = arith.constant 0 : i32
        %dma_wait3A_123 = tpu.memref_slice %arg3[%dma_wait3A_121, %dma_wait3A_122] : memref<10000x128xbf16, #tpu.memory_space<hbm>> -> memref<10000x128xbf16, #tpu.memory_space<hbm>>
        tpu.wait_indirect_dma semaphore(%arg19 : memref<!tpu.dma_semaphore, #tpu.memory_space<semaphore_mem>>) src(%dma_wait3A_123 : memref<10000x128xbf16, #tpu.memory_space<hbm>>) dst(%arg14 : memref<128x128xbf16, #tpu.memory_space<vmem>>)
        "tpu.region"() ({
          %run_scoped3A = tpu.sem_alloc : memref<!tpu.dma_semaphore, #tpu.memory_space<semaphore_mem>>
          %dma_start3A_124 = arith.constant 0 : i32
          %dma_start3A_125 = tpu.memref_slice %arg12[%add3A_117, %dma_start3A_124] : memref<80x128xi32, #tpu.memory_space<vmem>> -> memref<1x128xi32, #tpu.memory_space<vmem>>
          %dma_start3A_126 = tpu.memref_squeeze %dma_start3A_125 : memref<1x128xi32, #tpu.memory_space<vmem>> -> memref<128xi32, #tpu.memory_space<vmem>>
          %dma_start3A_127 = arith.constant 0 : i32
          %dma_start3A_128 = arith.constant 0 : i32
          %dma_start3A_129 = tpu.memref_slice %arg16[%dma_start3A_127, %dma_start3A_128] : memref<10240x128xbf16, #tpu.memory_space<vmem_shared>> -> memref<10240x128xbf16, #tpu.memory_space<vmem_shared>>
          tpu.enqueue_indirect_dma source(%arg14 : memref<128x128xbf16, #tpu.memory_space<vmem>>) target(%dma_start3A_129 : memref<10240x128xbf16, #tpu.memory_space<vmem_shared>>) offsets(%dma_start3A_126 : memref<128xi32, #tpu.memory_space<vmem>>) semaphore(%run_scoped3A : memref<!tpu.dma_semaphore, #tpu.memory_space<semaphore_mem>>) {add = true}
          %dma_wait3A_130 = arith.constant 0 : i32
          %dma_wait3A_131 = tpu.memref_slice %arg12[%add3A_117, %dma_wait3A_130] : memref<80x128xi32, #tpu.memory_space<vmem>> -> memref<1x128xi32, #tpu.memory_space<vmem>>
          %dma_wait3A_132 = tpu.memref_squeeze %dma_wait3A_131 : memref<1x128xi32, #tpu.memory_space<vmem>> -> memref<128xi32, #tpu.memory_space<vmem>>
          %dma_wait3A_133 = arith.constant 0 : i32
          %dma_wait3A_134 = arith.constant 0 : i32
          %dma_wait3A_135 = tpu.memref_slice %arg16[%dma_wait3A_133, %dma_wait3A_134] : memref<10240x128xbf16, #tpu.memory_space<vmem_shared>> -> memref<10240x128xbf16, #tpu.memory_space<vmem_shared>>
          tpu.wait_indirect_dma semaphore(%run_scoped3A : memref<!tpu.dma_semaphore, #tpu.memory_space<semaphore_mem>>) src(%arg14 : memref<128x128xbf16, #tpu.memory_space<vmem>>) dst(%dma_wait3A_135 : memref<10240x128xbf16, #tpu.memory_space<vmem_shared>>)
          tpu.yield
        }) : () -> ()
      }
      %scan3A_84 = arith.constant 40 : i32
      %dma_wait3A = arith.constant 79 : i32
      %dma_wait3A_85 = arith.constant 0 : i32
      %dma_wait3A_86 = tpu.memref_slice %arg11[%dma_wait3A, %dma_wait3A_85] : memref<80x128xi32, #tpu.memory_space<vmem>> -> memref<1x128xi32, #tpu.memory_space<vmem>>
      %dma_wait3A_87 = tpu.memref_squeeze %dma_wait3A_86 : memref<1x128xi32, #tpu.memory_space<vmem>> -> memref<128xi32, #tpu.memory_space<vmem>>
      %dma_wait3A_88 = arith.constant 0 : i32
      %dma_wait3A_89 = arith.constant 0 : i32
      %dma_wait3A_90 = tpu.memref_slice %arg3[%dma_wait3A_88, %dma_wait3A_89] : memref<10000x128xbf16, #tpu.memory_space<hbm>> -> memref<10000x128xbf16, #tpu.memory_space<hbm>>
      tpu.wait_indirect_dma semaphore(%arg18 : memref<!tpu.dma_semaphore, #tpu.memory_space<semaphore_mem>>) src(%dma_wait3A_90 : memref<10000x128xbf16, #tpu.memory_space<hbm>>) dst(%arg13 : memref<128x128xbf16, #tpu.memory_space<vmem>>)
    } else {
    }
    %barrier3A_61 = arith.constant 0 : index
    tpu.barrier barrier_id(%barrier3A_61)
    %eq3A_62 = arith.constant 0 : i32
    %eq3A_63 = arith.cmpi eq, %arg0, %eq3A_62 : i32
    %convert_element_type3A_64 = arith.extui %eq3A_63 : i1 to i32
    %cond3A_65 = arith.constant 0 : i32
    %cond3A_66 = arith.cmpi ne, %convert_element_type3A_64, %cond3A_65 : i32
    scf.if %cond3A_66 {
      "tpu.region"() ({
        %run_scoped3A = tpu.sem_alloc : memref<!tpu.dma_semaphore, #tpu.memory_space<semaphore_mem>>
        %dma_start3A = arith.constant 0 : i32
        %dma_start3A_77 = tpu.memref_slice %arg8[%mul3A_0, %dma_start3A] : memref<10240x128xbf16, #tpu.memory_space<hbm>> -> memref<640x128xbf16, #tpu.memory_space<hbm>>
        %dma_start3A_78 = arith.constant 0 : i32
        %dma_start3A_79 = tpu.memref_slice %arg16[%mul3A_0, %dma_start3A_78] : memref<10240x128xbf16, #tpu.memory_space<vmem_shared>> -> memref<640x128xbf16, #tpu.memory_space<vmem_shared>>
        tpu.enqueue_dma source(%dma_start3A_79 : memref<640x128xbf16, #tpu.memory_space<vmem_shared>>) target(%dma_start3A_77 : memref<640x128xbf16, #tpu.memory_space<hbm>>) target_semaphore(%run_scoped3A : memref<!tpu.dma_semaphore, #tpu.memory_space<semaphore_mem>>)
        %dma_wait3A = arith.constant 0 : i32
        %dma_wait3A_80 = tpu.memref_slice %arg8[%mul3A_0, %dma_wait3A] : memref<10240x128xbf16, #tpu.memory_space<hbm>> -> memref<640x128xbf16, #tpu.memory_space<hbm>>
        %dma_wait3A_81 = arith.constant 0 : i32
        %dma_wait3A_82 = tpu.memref_slice %arg16[%mul3A_0, %dma_wait3A_81] : memref<10240x128xbf16, #tpu.memory_space<vmem_shared>> -> memref<640x128xbf16, #tpu.memory_space<vmem_shared>>
        tpu.wait_dma2 semaphore(%run_scoped3A : memref<!tpu.dma_semaphore, #tpu.memory_space<semaphore_mem>>) src(%dma_wait3A_82 : memref<640x128xbf16, #tpu.memory_space<vmem_shared>>) dst(%dma_wait3A_80 : memref<640x128xbf16, #tpu.memory_space<hbm>>)
        tpu.yield
      }) : () -> ()
      %eq3A_72 = arith.constant 0 : i32
      %eq3A_73 = arith.cmpi eq, %arg1, %eq3A_72 : i32
      %convert_element_type3A_74 = arith.extui %eq3A_73 : i1 to i32
      %cond3A_75 = arith.constant 0 : i32
      %cond3A_76 = arith.cmpi ne, %convert_element_type3A_74, %cond3A_75 : i32
      scf.if %cond3A_76 {
        "tpu.region"() ({
          %run_scoped3A = tpu.sem_alloc : memref<!tpu.dma_semaphore, #tpu.memory_space<semaphore_mem>>
          tpu.enqueue_dma source(%arg17 : memref<10240xf32, #tpu.memory_space<vmem_shared>>) target(%arg10 : memref<10240xf32, #tpu.memory_space<hbm>>) target_semaphore(%run_scoped3A : memref<!tpu.dma_semaphore, #tpu.memory_space<semaphore_mem>>)
          tpu.wait_dma2 semaphore(%run_scoped3A : memref<!tpu.dma_semaphore, #tpu.memory_space<semaphore_mem>>) src(%arg17 : memref<10240xf32, #tpu.memory_space<vmem_shared>>) dst(%arg10 : memref<10240xf32, #tpu.memory_space<hbm>>)
          tpu.yield
        }) : () -> ()
      } else {
      }
    } else {
    }
    %eq3A_67 = arith.constant 1 : i32
    %eq3A_68 = arith.cmpi eq, %arg0, %eq3A_67 : i32
    %convert_element_type3A_69 = arith.extui %eq3A_68 : i1 to i32
    %cond3A_70 = arith.constant 0 : i32
    %cond3A_71 = arith.cmpi ne, %convert_element_type3A_69, %cond3A_70 : i32
    scf.if %cond3A_71 {
      "tpu.region"() ({
        %run_scoped3A = tpu.sem_alloc : memref<!tpu.dma_semaphore, #tpu.memory_space<semaphore_mem>>
        %dma_start3A = arith.constant 0 : i32
        %dma_start3A_72 = tpu.memref_slice %arg9[%mul3A_0, %dma_start3A] : memref<10240x128xbf16, #tpu.memory_space<hbm>> -> memref<640x128xbf16, #tpu.memory_space<hbm>>
        %dma_start3A_73 = arith.constant 0 : i32
        %dma_start3A_74 = tpu.memref_slice %arg16[%mul3A_0, %dma_start3A_73] : memref<10240x128xbf16, #tpu.memory_space<vmem_shared>> -> memref<640x128xbf16, #tpu.memory_space<vmem_shared>>
        tpu.enqueue_dma source(%dma_start3A_74 : memref<640x128xbf16, #tpu.memory_space<vmem_shared>>) target(%dma_start3A_72 : memref<640x128xbf16, #tpu.memory_space<hbm>>) target_semaphore(%run_scoped3A : memref<!tpu.dma_semaphore, #tpu.memory_space<semaphore_mem>>)
        %dma_wait3A = arith.constant 0 : i32
        %dma_wait3A_75 = tpu.memref_slice %arg9[%mul3A_0, %dma_wait3A] : memref<10240x128xbf16, #tpu.memory_space<hbm>> -> memref<640x128xbf16, #tpu.memory_space<hbm>>
        %dma_wait3A_76 = arith.constant 0 : i32
        %dma_wait3A_77 = tpu.memref_slice %arg16[%mul3A_0, %dma_wait3A_76] : memref<10240x128xbf16, #tpu.memory_space<vmem_shared>> -> memref<640x128xbf16, #tpu.memory_space<vmem_shared>>
        tpu.wait_dma2 semaphore(%run_scoped3A : memref<!tpu.dma_semaphore, #tpu.memory_space<semaphore_mem>>) src(%dma_wait3A_77 : memref<640x128xbf16, #tpu.memory_space<vmem_shared>>) dst(%dma_wait3A_75 : memref<640x128xbf16, #tpu.memory_space<hbm>>)
        tpu.yield
      }) : () -> ()
    } else {
    }
    return
  }
}

#map = affine_map<(d0, d1) -> (0, 0)>
module attributes {stable_mosaic.version = 14 : i64} {
  func.func @k(%arg0: i32, %arg1: i32, %arg2: memref<10000x40xf32, #tpu.memory_space<hbm>>, %arg3: memref<1280x128xi32, #tpu.memory_space<hbm>>, %arg4: memref<1280x128xi32, #tpu.memory_space<hbm>>, %arg5: memref<640x40xf32, #tpu.memory_space<hbm>>, %arg6: memref<10240x40xf32, #tpu.memory_space<hbm>>, %arg7: memref<10240x40xf32, #tpu.memory_space<hbm>>, %arg8: memref<41x128xi32, #tpu.memory_space<vmem>>, %arg9: memref<41x128xi32, #tpu.memory_space<vmem>>, %arg10: memref<128x40xf32, #tpu.memory_space<vmem>>, %arg11: memref<128x40xf32, #tpu.memory_space<vmem>>, %arg12: memref<10240x40xf32, #tpu.memory_space<vmem_shared>>, %arg13: memref<!tpu.dma_semaphore, #tpu.memory_space<semaphore_mem>>, %arg14: memref<!tpu.dma_semaphore, #tpu.memory_space<semaphore_mem>>) attributes {dimension_semantics = [#tpu.dimension_semantics<core_parallel>, #tpu.dimension_semantics<subcore_parallel>], iteration_bounds = array<i64: 2, 16>, scalar_prefetch = 0 : i64, scratch_operands = 7 : i64, tpu.core_type = #tpu.core_type<sc_vector_subcore>, window_params = [{transform_indices = #map}, {transform_indices = #map}, {transform_indices = #map}, {transform_indices = #map}, {transform_indices = #map}, {transform_indices = #map}]} {
    %mul3A = arith.constant 16 : i32
    %mul3A_0 = arith.muli %arg0, %mul3A : i32
    %add3A = arith.addi %mul3A_0, %arg1 : i32
    %mul3A_1 = arith.constant 640 : i32
    %mul3A_2 = arith.muli %arg1, %mul3A_1 : i32
    "tpu.region"() ({
      %run_scoped3A = tpu.sem_alloc : memref<!tpu.dma_semaphore, #tpu.memory_space<semaphore_mem>>
      %dma_start3A_32 = arith.constant 0 : i32
      %dma_start3A_33 = tpu.memref_slice %arg12[%mul3A_2, %dma_start3A_32] : memref<10240x40xf32, #tpu.memory_space<vmem_shared>> -> memref<640x40xf32, #tpu.memory_space<vmem_shared>>
      tpu.enqueue_dma source(%arg5 : memref<640x40xf32, #tpu.memory_space<hbm>>) target(%dma_start3A_33 : memref<640x40xf32, #tpu.memory_space<vmem_shared>>) target_semaphore(%run_scoped3A : memref<!tpu.dma_semaphore, #tpu.memory_space<semaphore_mem>>)
      %dma_wait3A_34 = arith.constant 0 : i32
      %dma_wait3A_35 = tpu.memref_slice %arg12[%mul3A_2, %dma_wait3A_34] : memref<10240x40xf32, #tpu.memory_space<vmem_shared>> -> memref<640x40xf32, #tpu.memory_space<vmem_shared>>
      tpu.wait_dma2 semaphore(%run_scoped3A : memref<!tpu.dma_semaphore, #tpu.memory_space<semaphore_mem>>) src(%arg5 : memref<640x40xf32, #tpu.memory_space<hbm>>) dst(%dma_wait3A_35 : memref<640x40xf32, #tpu.memory_space<vmem_shared>>)
      tpu.yield
    }) : () -> ()
    %mul3A_3 = arith.constant 40 : i32
    %mul3A_4 = arith.muli %add3A, %mul3A_3 : i32
    "tpu.region"() ({
      %run_scoped3A = tpu.sem_alloc : memref<!tpu.dma_semaphore, #tpu.memory_space<semaphore_mem>>
      %dma_start3A_32 = arith.constant 0 : i32
      %dma_start3A_33 = arith.constant 0 : i32
      %dma_start3A_34 = tpu.memref_slice %arg8[%dma_start3A_32, %dma_start3A_33] : memref<41x128xi32, #tpu.memory_space<vmem>> -> memref<40x128xi32, #tpu.memory_space<vmem>>
      %dma_start3A_35 = arith.constant 0 : i32
      %dma_start3A_36 = tpu.memref_slice %arg3[%mul3A_4, %dma_start3A_35] : memref<1280x128xi32, #tpu.memory_space<hbm>> -> memref<40x128xi32, #tpu.memory_space<hbm>>
      %dma_start3A_37 = arith.constant 0 : i32
      %dma_start3A_38 = arith.constant 0 : i32
      %dma_start3A_39 = tpu.memref_slice %arg8[%dma_start3A_37, %dma_start3A_38] : memref<41x128xi32, #tpu.memory_space<vmem>> -> memref<40x128xi32, #tpu.memory_space<vmem>>
      %dma_start3A_40 = arith.constant 0 : i32
      %dma_start3A_41 = tpu.memref_slice %arg3[%mul3A_4, %dma_start3A_40] : memref<1280x128xi32, #tpu.memory_space<hbm>> -> memref<40x128xi32, #tpu.memory_space<hbm>>
      tpu.enqueue_dma source(%dma_start3A_41 : memref<40x128xi32, #tpu.memory_space<hbm>>) target(%dma_start3A_39 : memref<40x128xi32, #tpu.memory_space<vmem>>) target_semaphore(%run_scoped3A : memref<!tpu.dma_semaphore, #tpu.memory_space<semaphore_mem>>)
      %dma_wait3A_42 = arith.constant 0 : i32
      %dma_wait3A_43 = arith.constant 0 : i32
      %dma_wait3A_44 = tpu.memref_slice %arg8[%dma_wait3A_42, %dma_wait3A_43] : memref<41x128xi32, #tpu.memory_space<vmem>> -> memref<40x128xi32, #tpu.memory_space<vmem>>
      %dma_wait3A_45 = arith.constant 0 : i32
      %dma_wait3A_46 = tpu.memref_slice %arg3[%mul3A_4, %dma_wait3A_45] : memref<1280x128xi32, #tpu.memory_space<hbm>> -> memref<40x128xi32, #tpu.memory_space<hbm>>
      %dma_wait3A_47 = arith.constant 0 : i32
      %dma_wait3A_48 = arith.constant 0 : i32
      %dma_wait3A_49 = tpu.memref_slice %arg8[%dma_wait3A_47, %dma_wait3A_48] : memref<41x128xi32, #tpu.memory_space<vmem>> -> memref<40x128xi32, #tpu.memory_space<vmem>>
      %dma_wait3A_50 = arith.constant 0 : i32
      %dma_wait3A_51 = tpu.memref_slice %arg3[%mul3A_4, %dma_wait3A_50] : memref<1280x128xi32, #tpu.memory_space<hbm>> -> memref<40x128xi32, #tpu.memory_space<hbm>>
      tpu.wait_dma2 semaphore(%run_scoped3A : memref<!tpu.dma_semaphore, #tpu.memory_space<semaphore_mem>>) src(%dma_wait3A_51 : memref<40x128xi32, #tpu.memory_space<hbm>>) dst(%dma_wait3A_49 : memref<40x128xi32, #tpu.memory_space<vmem>>)
      tpu.yield
    }) : () -> ()
    %mul3A_5 = arith.constant 40 : i32
    %mul3A_6 = arith.muli %add3A, %mul3A_5 : i32
    "tpu.region"() ({
      %run_scoped3A = tpu.sem_alloc : memref<!tpu.dma_semaphore, #tpu.memory_space<semaphore_mem>>
      %dma_start3A_32 = arith.constant 0 : i32
      %dma_start3A_33 = arith.constant 0 : i32
      %dma_start3A_34 = tpu.memref_slice %arg9[%dma_start3A_32, %dma_start3A_33] : memref<41x128xi32, #tpu.memory_space<vmem>> -> memref<40x128xi32, #tpu.memory_space<vmem>>
      %dma_start3A_35 = arith.constant 0 : i32
      %dma_start3A_36 = tpu.memref_slice %arg4[%mul3A_6, %dma_start3A_35] : memref<1280x128xi32, #tpu.memory_space<hbm>> -> memref<40x128xi32, #tpu.memory_space<hbm>>
      %dma_start3A_37 = arith.constant 0 : i32
      %dma_start3A_38 = arith.constant 0 : i32
      %dma_start3A_39 = tpu.memref_slice %arg9[%dma_start3A_37, %dma_start3A_38] : memref<41x128xi32, #tpu.memory_space<vmem>> -> memref<40x128xi32, #tpu.memory_space<vmem>>
      %dma_start3A_40 = arith.constant 0 : i32
      %dma_start3A_41 = tpu.memref_slice %arg4[%mul3A_6, %dma_start3A_40] : memref<1280x128xi32, #tpu.memory_space<hbm>> -> memref<40x128xi32, #tpu.memory_space<hbm>>
      tpu.enqueue_dma source(%dma_start3A_41 : memref<40x128xi32, #tpu.memory_space<hbm>>) target(%dma_start3A_39 : memref<40x128xi32, #tpu.memory_space<vmem>>) target_semaphore(%run_scoped3A : memref<!tpu.dma_semaphore, #tpu.memory_space<semaphore_mem>>)
      %dma_wait3A_42 = arith.constant 0 : i32
      %dma_wait3A_43 = arith.constant 0 : i32
      %dma_wait3A_44 = tpu.memref_slice %arg9[%dma_wait3A_42, %dma_wait3A_43] : memref<41x128xi32, #tpu.memory_space<vmem>> -> memref<40x128xi32, #tpu.memory_space<vmem>>
      %dma_wait3A_45 = arith.constant 0 : i32
      %dma_wait3A_46 = tpu.memref_slice %arg4[%mul3A_6, %dma_wait3A_45] : memref<1280x128xi32, #tpu.memory_space<hbm>> -> memref<40x128xi32, #tpu.memory_space<hbm>>
      %dma_wait3A_47 = arith.constant 0 : i32
      %dma_wait3A_48 = arith.constant 0 : i32
      %dma_wait3A_49 = tpu.memref_slice %arg9[%dma_wait3A_47, %dma_wait3A_48] : memref<41x128xi32, #tpu.memory_space<vmem>> -> memref<40x128xi32, #tpu.memory_space<vmem>>
      %dma_wait3A_50 = arith.constant 0 : i32
      %dma_wait3A_51 = tpu.memref_slice %arg4[%mul3A_6, %dma_wait3A_50] : memref<1280x128xi32, #tpu.memory_space<hbm>> -> memref<40x128xi32, #tpu.memory_space<hbm>>
      tpu.wait_dma2 semaphore(%run_scoped3A : memref<!tpu.dma_semaphore, #tpu.memory_space<semaphore_mem>>) src(%dma_wait3A_51 : memref<40x128xi32, #tpu.memory_space<hbm>>) dst(%dma_wait3A_49 : memref<40x128xi32, #tpu.memory_space<vmem>>)
      tpu.yield
    }) : () -> ()
    %barrier3A = arith.constant 0 : index
    tpu.barrier barrier_id(%barrier3A)
    %dma_start3A = arith.constant 0 : i32
    %dma_start3A_7 = arith.constant 0 : i32
    %dma_start3A_8 = tpu.memref_slice %arg8[%dma_start3A, %dma_start3A_7] : memref<41x128xi32, #tpu.memory_space<vmem>> -> memref<1x128xi32, #tpu.memory_space<vmem>>
    %dma_start3A_9 = tpu.memref_squeeze %dma_start3A_8 : memref<1x128xi32, #tpu.memory_space<vmem>> -> memref<128xi32, #tpu.memory_space<vmem>>
    %dma_start3A_10 = arith.constant 0 : i32
    %dma_start3A_11 = arith.constant 0 : i32
    %dma_start3A_12 = tpu.memref_slice %arg2[%dma_start3A_10, %dma_start3A_11] : memref<10000x40xf32, #tpu.memory_space<hbm>> -> memref<10000x40xf32, #tpu.memory_space<hbm>>
    tpu.enqueue_indirect_dma source(%dma_start3A_12 : memref<10000x40xf32, #tpu.memory_space<hbm>>) target(%arg10 : memref<128x40xf32, #tpu.memory_space<vmem>>) offsets(%dma_start3A_9 : memref<128xi32, #tpu.memory_space<vmem>>) semaphore(%arg13 : memref<!tpu.dma_semaphore, #tpu.memory_space<semaphore_mem>>)
    %scan3A = arith.constant 0 : i32
    %scan3A_13 = arith.constant 0 : i32
    %scan3A_14 = arith.constant 20 : i32
    %scan3A_15 = arith.addi %scan3A_13, %scan3A_14 : i32
    %scan3A_16 = arith.constant 1 : i32
    scf.for %scan3A_32 = %scan3A_13 to %scan3A_15 step %scan3A_16  : i32 {
      %mul3A_33 = arith.constant 2 : i32
      %mul3A_34 = arith.muli %mul3A_33, %scan3A_32 : i32
      %add3A_35 = arith.constant 1 : i32
      %add3A_36 = arith.addi %mul3A_34, %add3A_35 : i32
      %dma_start3A_37 = arith.constant 0 : i32
      %dma_start3A_38 = tpu.memref_slice %arg8[%add3A_36, %dma_start3A_37] : memref<41x128xi32, #tpu.memory_space<vmem>> -> memref<1x128xi32, #tpu.memory_space<vmem>>
      %dma_start3A_39 = tpu.memref_squeeze %dma_start3A_38 : memref<1x128xi32, #tpu.memory_space<vmem>> -> memref<128xi32, #tpu.memory_space<vmem>>
      %dma_start3A_40 = arith.constant 0 : i32
      %dma_start3A_41 = arith.constant 0 : i32
      %dma_start3A_42 = tpu.memref_slice %arg2[%dma_start3A_40, %dma_start3A_41] : memref<10000x40xf32, #tpu.memory_space<hbm>> -> memref<10000x40xf32, #tpu.memory_space<hbm>>
      tpu.enqueue_indirect_dma source(%dma_start3A_42 : memref<10000x40xf32, #tpu.memory_space<hbm>>) target(%arg11 : memref<128x40xf32, #tpu.memory_space<vmem>>) offsets(%dma_start3A_39 : memref<128xi32, #tpu.memory_space<vmem>>) semaphore(%arg14 : memref<!tpu.dma_semaphore, #tpu.memory_space<semaphore_mem>>)
      %dma_wait3A_43 = arith.constant 0 : i32
      %dma_wait3A_44 = tpu.memref_slice %arg8[%mul3A_34, %dma_wait3A_43] : memref<41x128xi32, #tpu.memory_space<vmem>> -> memref<1x128xi32, #tpu.memory_space<vmem>>
      %dma_wait3A_45 = tpu.memref_squeeze %dma_wait3A_44 : memref<1x128xi32, #tpu.memory_space<vmem>> -> memref<128xi32, #tpu.memory_space<vmem>>
      %dma_wait3A_46 = arith.constant 0 : i32
      %dma_wait3A_47 = arith.constant 0 : i32
      %dma_wait3A_48 = tpu.memref_slice %arg2[%dma_wait3A_46, %dma_wait3A_47] : memref<10000x40xf32, #tpu.memory_space<hbm>> -> memref<10000x40xf32, #tpu.memory_space<hbm>>
      tpu.wait_indirect_dma semaphore(%arg13 : memref<!tpu.dma_semaphore, #tpu.memory_space<semaphore_mem>>) src(%dma_wait3A_48 : memref<10000x40xf32, #tpu.memory_space<hbm>>) dst(%arg10 : memref<128x40xf32, #tpu.memory_space<vmem>>)
      "tpu.region"() ({
        %run_scoped3A = tpu.sem_alloc : memref<!tpu.dma_semaphore, #tpu.memory_space<semaphore_mem>>
        %dma_start3A_66 = arith.constant 0 : i32
        %dma_start3A_67 = tpu.memref_slice %arg9[%mul3A_34, %dma_start3A_66] : memref<41x128xi32, #tpu.memory_space<vmem>> -> memref<1x128xi32, #tpu.memory_space<vmem>>
        %dma_start3A_68 = tpu.memref_squeeze %dma_start3A_67 : memref<1x128xi32, #tpu.memory_space<vmem>> -> memref<128xi32, #tpu.memory_space<vmem>>
        %dma_start3A_69 = arith.constant 0 : i32
        %dma_start3A_70 = arith.constant 0 : i32
        %dma_start3A_71 = tpu.memref_slice %arg12[%dma_start3A_69, %dma_start3A_70] : memref<10240x40xf32, #tpu.memory_space<vmem_shared>> -> memref<10240x40xf32, #tpu.memory_space<vmem_shared>>
        tpu.enqueue_indirect_dma source(%arg10 : memref<128x40xf32, #tpu.memory_space<vmem>>) target(%dma_start3A_71 : memref<10240x40xf32, #tpu.memory_space<vmem_shared>>) offsets(%dma_start3A_68 : memref<128xi32, #tpu.memory_space<vmem>>) semaphore(%run_scoped3A : memref<!tpu.dma_semaphore, #tpu.memory_space<semaphore_mem>>) {add = true}
        %dma_wait3A_72 = arith.constant 0 : i32
        %dma_wait3A_73 = tpu.memref_slice %arg9[%mul3A_34, %dma_wait3A_72] : memref<41x128xi32, #tpu.memory_space<vmem>> -> memref<1x128xi32, #tpu.memory_space<vmem>>
        %dma_wait3A_74 = tpu.memref_squeeze %dma_wait3A_73 : memref<1x128xi32, #tpu.memory_space<vmem>> -> memref<128xi32, #tpu.memory_space<vmem>>
        %dma_wait3A_75 = arith.constant 0 : i32
        %dma_wait3A_76 = arith.constant 0 : i32
        %dma_wait3A_77 = tpu.memref_slice %arg12[%dma_wait3A_75, %dma_wait3A_76] : memref<10240x40xf32, #tpu.memory_space<vmem_shared>> -> memref<10240x40xf32, #tpu.memory_space<vmem_shared>>
        tpu.wait_indirect_dma semaphore(%run_scoped3A : memref<!tpu.dma_semaphore, #tpu.memory_space<semaphore_mem>>) src(%arg10 : memref<128x40xf32, #tpu.memory_space<vmem>>) dst(%dma_wait3A_77 : memref<10240x40xf32, #tpu.memory_space<vmem_shared>>)
        tpu.yield
      }) : () -> ()
      %add3A_49 = arith.constant 2 : i32
      %add3A_50 = arith.addi %mul3A_34, %add3A_49 : i32
      %min3A = arith.constant 39 : i32
      %min3A_51 = arith.minsi %add3A_50, %min3A : i32
      %dma_start3A_52 = arith.constant 0 : i32
      %dma_start3A_53 = tpu.memref_slice %arg8[%min3A_51, %dma_start3A_52] : memref<41x128xi32, #tpu.memory_space<vmem>> -> memref<1x128xi32, #tpu.memory_space<vmem>>
      %dma_start3A_54 = tpu.memref_squeeze %dma_start3A_53 : memref<1x128xi32, #tpu.memory_space<vmem>> -> memref<128xi32, #tpu.memory_space<vmem>>
      %dma_start3A_55 = arith.constant 0 : i32
      %dma_start3A_56 = arith.constant 0 : i32
      %dma_start3A_57 = tpu.memref_slice %arg2[%dma_start3A_55, %dma_start3A_56] : memref<10000x40xf32, #tpu.memory_space<hbm>> -> memref<10000x40xf32, #tpu.memory_space<hbm>>
      tpu.enqueue_indirect_dma source(%dma_start3A_57 : memref<10000x40xf32, #tpu.memory_space<hbm>>) target(%arg10 : memref<128x40xf32, #tpu.memory_space<vmem>>) offsets(%dma_start3A_54 : memref<128xi32, #tpu.memory_space<vmem>>) semaphore(%arg13 : memref<!tpu.dma_semaphore, #tpu.memory_space<semaphore_mem>>)
      %add3A_58 = arith.constant 1 : i32
      %add3A_59 = arith.addi %mul3A_34, %add3A_58 : i32
      %dma_wait3A_60 = arith.constant 0 : i32
      %dma_wait3A_61 = tpu.memref_slice %arg8[%add3A_59, %dma_wait3A_60] : memref<41x128xi32, #tpu.memory_space<vmem>> -> memref<1x128xi32, #tpu.memory_space<vmem>>
      %dma_wait3A_62 = tpu.memref_squeeze %dma_wait3A_61 : memref<1x128xi32, #tpu.memory_space<vmem>> -> memref<128xi32, #tpu.memory_space<vmem>>
      %dma_wait3A_63 = arith.constant 0 : i32
      %dma_wait3A_64 = arith.constant 0 : i32
      %dma_wait3A_65 = tpu.memref_slice %arg2[%dma_wait3A_63, %dma_wait3A_64] : memref<10000x40xf32, #tpu.memory_space<hbm>> -> memref<10000x40xf32, #tpu.memory_space<hbm>>
      tpu.wait_indirect_dma semaphore(%arg14 : memref<!tpu.dma_semaphore, #tpu.memory_space<semaphore_mem>>) src(%dma_wait3A_65 : memref<10000x40xf32, #tpu.memory_space<hbm>>) dst(%arg11 : memref<128x40xf32, #tpu.memory_space<vmem>>)
      "tpu.region"() ({
        %run_scoped3A = tpu.sem_alloc : memref<!tpu.dma_semaphore, #tpu.memory_space<semaphore_mem>>
        %dma_start3A_66 = arith.constant 0 : i32
        %dma_start3A_67 = tpu.memref_slice %arg9[%add3A_59, %dma_start3A_66] : memref<41x128xi32, #tpu.memory_space<vmem>> -> memref<1x128xi32, #tpu.memory_space<vmem>>
        %dma_start3A_68 = tpu.memref_squeeze %dma_start3A_67 : memref<1x128xi32, #tpu.memory_space<vmem>> -> memref<128xi32, #tpu.memory_space<vmem>>
        %dma_start3A_69 = arith.constant 0 : i32
        %dma_start3A_70 = arith.constant 0 : i32
        %dma_start3A_71 = tpu.memref_slice %arg12[%dma_start3A_69, %dma_start3A_70] : memref<10240x40xf32, #tpu.memory_space<vmem_shared>> -> memref<10240x40xf32, #tpu.memory_space<vmem_shared>>
        tpu.enqueue_indirect_dma source(%arg11 : memref<128x40xf32, #tpu.memory_space<vmem>>) target(%dma_start3A_71 : memref<10240x40xf32, #tpu.memory_space<vmem_shared>>) offsets(%dma_start3A_68 : memref<128xi32, #tpu.memory_space<vmem>>) semaphore(%run_scoped3A : memref<!tpu.dma_semaphore, #tpu.memory_space<semaphore_mem>>) {add = true}
        %dma_wait3A_72 = arith.constant 0 : i32
        %dma_wait3A_73 = tpu.memref_slice %arg9[%add3A_59, %dma_wait3A_72] : memref<41x128xi32, #tpu.memory_space<vmem>> -> memref<1x128xi32, #tpu.memory_space<vmem>>
        %dma_wait3A_74 = tpu.memref_squeeze %dma_wait3A_73 : memref<1x128xi32, #tpu.memory_space<vmem>> -> memref<128xi32, #tpu.memory_space<vmem>>
        %dma_wait3A_75 = arith.constant 0 : i32
        %dma_wait3A_76 = arith.constant 0 : i32
        %dma_wait3A_77 = tpu.memref_slice %arg12[%dma_wait3A_75, %dma_wait3A_76] : memref<10240x40xf32, #tpu.memory_space<vmem_shared>> -> memref<10240x40xf32, #tpu.memory_space<vmem_shared>>
        tpu.wait_indirect_dma semaphore(%run_scoped3A : memref<!tpu.dma_semaphore, #tpu.memory_space<semaphore_mem>>) src(%arg11 : memref<128x40xf32, #tpu.memory_space<vmem>>) dst(%dma_wait3A_77 : memref<10240x40xf32, #tpu.memory_space<vmem_shared>>)
        tpu.yield
      }) : () -> ()
    }
    %scan3A_17 = arith.constant 20 : i32
    %dma_wait3A = arith.constant 39 : i32
    %dma_wait3A_18 = arith.constant 0 : i32
    %dma_wait3A_19 = tpu.memref_slice %arg8[%dma_wait3A, %dma_wait3A_18] : memref<41x128xi32, #tpu.memory_space<vmem>> -> memref<1x128xi32, #tpu.memory_space<vmem>>
    %dma_wait3A_20 = tpu.memref_squeeze %dma_wait3A_19 : memref<1x128xi32, #tpu.memory_space<vmem>> -> memref<128xi32, #tpu.memory_space<vmem>>
    %dma_wait3A_21 = arith.constant 0 : i32
    %dma_wait3A_22 = arith.constant 0 : i32
    %dma_wait3A_23 = tpu.memref_slice %arg2[%dma_wait3A_21, %dma_wait3A_22] : memref<10000x40xf32, #tpu.memory_space<hbm>> -> memref<10000x40xf32, #tpu.memory_space<hbm>>
    tpu.wait_indirect_dma semaphore(%arg13 : memref<!tpu.dma_semaphore, #tpu.memory_space<semaphore_mem>>) src(%dma_wait3A_23 : memref<10000x40xf32, #tpu.memory_space<hbm>>) dst(%arg10 : memref<128x40xf32, #tpu.memory_space<vmem>>)
    %barrier3A_24 = arith.constant 0 : index
    tpu.barrier barrier_id(%barrier3A_24)
    %eq3A = arith.constant 0 : i32
    %eq3A_25 = arith.cmpi eq, %arg0, %eq3A : i32
    %convert_element_type3A = arith.extui %eq3A_25 : i1 to i32
    %cond3A = arith.constant 0 : i32
    %cond3A_26 = arith.cmpi ne, %convert_element_type3A, %cond3A : i32
    scf.if %cond3A_26 {
      "tpu.region"() ({
        %run_scoped3A = tpu.sem_alloc : memref<!tpu.dma_semaphore, #tpu.memory_space<semaphore_mem>>
        %dma_start3A_32 = arith.constant 0 : i32
        %dma_start3A_33 = tpu.memref_slice %arg6[%mul3A_2, %dma_start3A_32] : memref<10240x40xf32, #tpu.memory_space<hbm>> -> memref<640x40xf32, #tpu.memory_space<hbm>>
        %dma_start3A_34 = arith.constant 0 : i32
        %dma_start3A_35 = tpu.memref_slice %arg12[%mul3A_2, %dma_start3A_34] : memref<10240x40xf32, #tpu.memory_space<vmem_shared>> -> memref<640x40xf32, #tpu.memory_space<vmem_shared>>
        tpu.enqueue_dma source(%dma_start3A_35 : memref<640x40xf32, #tpu.memory_space<vmem_shared>>) target(%dma_start3A_33 : memref<640x40xf32, #tpu.memory_space<hbm>>) target_semaphore(%run_scoped3A : memref<!tpu.dma_semaphore, #tpu.memory_space<semaphore_mem>>)
        %dma_wait3A_36 = arith.constant 0 : i32
        %dma_wait3A_37 = tpu.memref_slice %arg6[%mul3A_2, %dma_wait3A_36] : memref<10240x40xf32, #tpu.memory_space<hbm>> -> memref<640x40xf32, #tpu.memory_space<hbm>>
        %dma_wait3A_38 = arith.constant 0 : i32
        %dma_wait3A_39 = tpu.memref_slice %arg12[%mul3A_2, %dma_wait3A_38] : memref<10240x40xf32, #tpu.memory_space<vmem_shared>> -> memref<640x40xf32, #tpu.memory_space<vmem_shared>>
        tpu.wait_dma2 semaphore(%run_scoped3A : memref<!tpu.dma_semaphore, #tpu.memory_space<semaphore_mem>>) src(%dma_wait3A_39 : memref<640x40xf32, #tpu.memory_space<vmem_shared>>) dst(%dma_wait3A_37 : memref<640x40xf32, #tpu.memory_space<hbm>>)
        tpu.yield
      }) : () -> ()
    } else {
    }
    %eq3A_27 = arith.constant 1 : i32
    %eq3A_28 = arith.cmpi eq, %arg0, %eq3A_27 : i32
    %convert_element_type3A_29 = arith.extui %eq3A_28 : i1 to i32
    %cond3A_30 = arith.constant 0 : i32
    %cond3A_31 = arith.cmpi ne, %convert_element_type3A_29, %cond3A_30 : i32
    scf.if %cond3A_31 {
      "tpu.region"() ({
        %run_scoped3A = tpu.sem_alloc : memref<!tpu.dma_semaphore, #tpu.memory_space<semaphore_mem>>
        %dma_start3A_32 = arith.constant 0 : i32
        %dma_start3A_33 = tpu.memref_slice %arg7[%mul3A_2, %dma_start3A_32] : memref<10240x40xf32, #tpu.memory_space<hbm>> -> memref<640x40xf32, #tpu.memory_space<hbm>>
        %dma_start3A_34 = arith.constant 0 : i32
        %dma_start3A_35 = tpu.memref_slice %arg12[%mul3A_2, %dma_start3A_34] : memref<10240x40xf32, #tpu.memory_space<vmem_shared>> -> memref<640x40xf32, #tpu.memory_space<vmem_shared>>
        tpu.enqueue_dma source(%dma_start3A_35 : memref<640x40xf32, #tpu.memory_space<vmem_shared>>) target(%dma_start3A_33 : memref<640x40xf32, #tpu.memory_space<hbm>>) target_semaphore(%run_scoped3A : memref<!tpu.dma_semaphore, #tpu.memory_space<semaphore_mem>>)
        %dma_wait3A_36 = arith.constant 0 : i32
        %dma_wait3A_37 = tpu.memref_slice %arg7[%mul3A_2, %dma_wait3A_36] : memref<10240x40xf32, #tpu.memory_space<hbm>> -> memref<640x40xf32, #tpu.memory_space<hbm>>
        %dma_wait3A_38 = arith.constant 0 : i32
        %dma_wait3A_39 = tpu.memref_slice %arg12[%mul3A_2, %dma_wait3A_38] : memref<10240x40xf32, #tpu.memory_space<vmem_shared>> -> memref<640x40xf32, #tpu.memory_space<vmem_shared>>
        tpu.wait_dma2 semaphore(%run_scoped3A : memref<!tpu.dma_semaphore, #tpu.memory_space<semaphore_mem>>) src(%dma_wait3A_39 : memref<640x40xf32, #tpu.memory_space<vmem_shared>>) dst(%dma_wait3A_37 : memref<640x40xf32, #tpu.memory_space<hbm>>)
        tpu.yield
      }) : () -> ()
    } else {
    }
    return
  }
}

module attributes {stable_mosaic.version = 14 : i64} {
  func.func @body(%arg0: i32, %arg1: memref<1000x256xf32, #tpu.memory_space<vmem>>, %arg2: memref<256x256xf32, #tpu.memory_space<vmem>>, %arg3: memref<1x256xf32, #tpu.memory_space<vmem>>, %arg4: memref<1000x256xf32, #tpu.memory_space<vmem>>) attributes {dimension_semantics = [#tpu.dimension_semantics<arbitrary>], iteration_bounds = array<i64: 10>, scalar_prefetch = 0 : i64, scratch_operands = 0 : i64, tpu.core_type = #tpu.core_type<tc>, window_params = [{transform_indices = @transform_0, window_bounds = array<i64: 1000, 256>}, {pipeline_mode = #tpu.pipeline_mode<synchronous>, transform_indices = @transform_1, window_bounds = array<i64: 256, 256>}, {pipeline_mode = #tpu.pipeline_mode<synchronous>, transform_indices = @transform_2, window_bounds = array<i64: 1, 256>}, {transform_indices = @transform_3, window_bounds = array<i64: 1000, 256>}]} {
    %get3A = arith.constant 0 : index
    %get3A_0 = arith.constant 0 : index
    %get3A_1 = vector.load %arg1[%get3A, %get3A_0] : memref<1000x256xf32, #tpu.memory_space<vmem>>, vector<1000x256xf32>
    %get3A_2 = arith.constant 0 : index
    %get3A_3 = arith.constant 0 : index
    %get3A_4 = vector.load %arg2[%get3A_2, %get3A_3] : memref<256x256xf32, #tpu.memory_space<vmem>>, vector<256x256xf32>
    %dot_general3A = arith.constant dense<0.000000e+00> : vector<1000x256xf32>
    %dot_general3A_5 = tpu.matmul %get3A_1, %get3A_4, %dot_general3A {dimension_numbers = #tpu.dot_dimension_numbers<[1], [0], [0], [1], [0, 0, 1, 1], [], []>, transpose_lhs_hint = false} : vector<1000x256xf32>, vector<256x256xf32>, vector<1000x256xf32> -> vector<1000x256xf32>
    %get3A_6 = arith.constant 0 : index
    %get3A_7 = arith.constant 0 : index
    %get3A_8 = vector.load %arg3[%get3A_6, %get3A_7] : memref<1x256xf32, #tpu.memory_space<vmem>>, vector<1x256xf32>
    %add3A = vector.broadcast %get3A_8 : vector<1x256xf32> to vector<1000x256xf32>
    %add3A_9 = arith.addf %dot_general3A_5, %add3A : vector<1000x256xf32>
    %swap3A = arith.constant 0 : index
    %swap3A_10 = arith.constant 0 : index
    %swap3A_11 = vector.load %arg4[%swap3A, %swap3A_10] : memref<1000x256xf32, #tpu.memory_space<vmem>>, vector<1000x256xf32>
    tpu.vector_store %arg4[%swap3A, %swap3A_10], %add3A_9 {strides = array<i32>} : memref<1000x256xf32, #tpu.memory_space<vmem>>, vector<1000x256xf32>,
    return
  }
  func.func @transform_0(%arg0: i32) -> (i32, i32) {
    %c0_i32 = arith.constant 0 : i32
    %c0_i32_0 = arith.constant 0 : i32
    return %arg0, %c0_i32 : i32, i32
  }
  func.func @transform_1(%arg0: i32) -> (i32, i32) {
    %c0_i32 = arith.constant 0 : i32
    %c0_i32_0 = arith.constant 0 : i32
    %c0_i32_1 = arith.constant 0 : i32
    return %c0_i32, %c0_i32_0 : i32, i32
  }
  func.func @transform_2(%arg0: i32) -> (i32, i32) {
    %c0_i32 = arith.constant 0 : i32
    %c0_i32_0 = arith.constant 0 : i32
    %c0_i32_1 = arith.constant 0 : i32
    return %c0_i32, %c0_i32_0 : i32, i32
  }
  func.func @transform_3(%arg0: i32) -> (i32, i32) {
    %c0_i32 = arith.constant 0 : i32
    %c0_i32_0 = arith.constant 0 : i32
    return %arg0, %c0_i32 : i32, i32
  }
}

module attributes {stable_mosaic.version = 14 : i64} {
  func.func @body(%arg0: i32, %arg1: memref<2000x256xf32, #tpu.memory_space<vmem>>, %arg2: memref<2000x128xbf16, #tpu.memory_space<vmem>>, %arg3: memref<2000x128xbf16, #tpu.memory_space<vmem>>, %arg4: memref<2000x1xf32, #tpu.memory_space<vmem>>, %arg5: memref<256x256xf32, #tpu.memory_space<vmem>>, %arg6: memref<256x80xf32, #tpu.memory_space<vmem>>, %arg7: memref<2000x40xf32, #tpu.memory_space<vmem>>, %arg8: memref<2000x40xf32, #tpu.memory_space<vmem>>) attributes {dimension_semantics = [#tpu.dimension_semantics<arbitrary>], iteration_bounds = array<i64: 5>, scalar_prefetch = 0 : i64, scratch_operands = 0 : i64, tpu.core_type = #tpu.core_type<tc>, window_params = [{transform_indices = @transform_0, window_bounds = array<i64: 2000, 256>}, {transform_indices = @transform_1, window_bounds = array<i64: 2000, 128>}, {transform_indices = @transform_2, window_bounds = array<i64: 2000, 128>}, {transform_indices = @transform_3, window_bounds = array<i64: 2000, 1>}, {pipeline_mode = #tpu.pipeline_mode<synchronous>, transform_indices = @transform_4, window_bounds = array<i64: 256, 256>}, {pipeline_mode = #tpu.pipeline_mode<synchronous>, transform_indices = @transform_5, window_bounds = array<i64: 256, 80>}, {transform_indices = @transform_6, window_bounds = array<i64: 2000, 40>}, {transform_indices = @transform_7, window_bounds = array<i64: 2000, 40>}]} {
    %get3A = arith.constant 0 : index
    %get3A_0 = arith.constant 0 : index
    %get3A_1 = vector.load %arg4[%get3A, %get3A_0] : memref<2000x1xf32, #tpu.memory_space<vmem>>, vector<2000x1xf32>
    %max3A = arith.constant 1.000000e+00 : f32
    %max3A_2 = vector.broadcast %max3A : f32 to vector<2000x1xf32>
    %max3A_3 = arith.maximumf %get3A_1, %max3A_2 : vector<2000x1xf32>
    %div3A = arith.constant 1.000000e+00 : f32
    %div3A_4 = vector.broadcast %div3A : f32 to vector<2000x1xf32>
    %div3A_5 = arith.divf %div3A_4, %max3A_3 : vector<2000x1xf32>
    %get3A_6 = arith.constant 0 : index
    %get3A_7 = arith.constant 0 : index
    %get3A_8 = vector.load %arg2[%get3A_6, %get3A_7] : memref<2000x128xbf16, #tpu.memory_space<vmem>>, vector<2000x128xbf16>
    %convert_element_type3A = arith.extf %get3A_8 : vector<2000x128xbf16> to vector<2000x128xf32>
    %get3A_9 = arith.constant 0 : index
    %get3A_10 = arith.constant 0 : index
    %get3A_11 = vector.load %arg5[%get3A_9, %get3A_10] : memref<256x256xf32, #tpu.memory_space<vmem>>, vector<128x256xf32>
    %dot_general3A = arith.constant dense<0.000000e+00> : vector<2000x256xf32>
    %dot_general3A_12 = tpu.matmul %convert_element_type3A, %get3A_11, %dot_general3A {dimension_numbers = #tpu.dot_dimension_numbers<[1], [0], [0], [1], [0, 0, 1, 1], [], []>, transpose_lhs_hint = false} : vector<2000x128xf32>, vector<128x256xf32>, vector<2000x256xf32> -> vector<2000x256xf32>
    %get3A_13 = arith.constant 0 : index
    %get3A_14 = arith.constant 0 : index
    %get3A_15 = vector.load %arg3[%get3A_13, %get3A_14] : memref<2000x128xbf16, #tpu.memory_space<vmem>>, vector<2000x128xbf16>
    %convert_element_type3A_16 = arith.extf %get3A_15 : vector<2000x128xbf16> to vector<2000x128xf32>
    %get3A_17 = arith.constant 128 : index
    %get3A_18 = arith.constant 0 : index
    %get3A_19 = vector.load %arg5[%get3A_17, %get3A_18] : memref<256x256xf32, #tpu.memory_space<vmem>>, vector<128x256xf32>
    %dot_general3A_20 = arith.constant dense<0.000000e+00> : vector<2000x256xf32>
    %dot_general3A_21 = tpu.matmul %convert_element_type3A_16, %get3A_19, %dot_general3A_20 {dimension_numbers = #tpu.dot_dimension_numbers<[1], [0], [0], [1], [0, 0, 1, 1], [], []>, transpose_lhs_hint = false} : vector<2000x128xf32>, vector<128x256xf32>, vector<2000x256xf32> -> vector<2000x256xf32>
    %add3A = arith.addf %dot_general3A_12, %dot_general3A_21 : vector<2000x256xf32>
    %get3A_22 = arith.constant 0 : index
    %get3A_23 = arith.constant 0 : index
    %get3A_24 = vector.load %arg1[%get3A_22, %get3A_23] : memref<2000x256xf32, #tpu.memory_space<vmem>>, vector<2000x256xf32>
    %mul3A = vector.broadcast %div3A_5 : vector<2000x1xf32> to vector<2000x256xf32>
    %mul3A_25 = arith.mulf %add3A, %mul3A : vector<2000x256xf32>
    %add3A_26 = arith.addf %get3A_24, %mul3A_25 : vector<2000x256xf32>
    %max3A_27 = arith.constant 0.000000e+00 : f32
    %max3A_28 = vector.broadcast %max3A_27 : f32 to vector<2000x256xf32>
    %max3A_29 = arith.maximumf %add3A_26, %max3A_28 : vector<2000x256xf32>
    %get3A_30 = arith.constant 0 : index
    %get3A_31 = arith.constant 0 : index
    %get3A_32 = vector.load %arg6[%get3A_30, %get3A_31] : memref<256x80xf32, #tpu.memory_space<vmem>>, vector<256x80xf32>
    %dot_general3A_33 = arith.constant dense<0.000000e+00> : vector<2000x80xf32>
    %dot_general3A_34 = tpu.matmul %max3A_29, %get3A_32, %dot_general3A_33 {dimension_numbers = #tpu.dot_dimension_numbers<[1], [0], [0], [1], [0, 0, 1, 1], [], []>, transpose_lhs_hint = false} : vector<2000x256xf32>, vector<256x80xf32>, vector<2000x80xf32> -> vector<2000x80xf32>
    %slice3A = vector.extract_strided_slice %dot_general3A_34 {offsets = [0, 0], sizes = [2000, 40], strides = [1, 1]} : vector<2000x80xf32> to vector<2000x40xf32>
    %swap3A = arith.constant 0 : index
    %swap3A_35 = arith.constant 0 : index
    %swap3A_36 = vector.load %arg7[%swap3A, %swap3A_35] : memref<2000x40xf32, #tpu.memory_space<vmem>>, vector<2000x40xf32>
    tpu.vector_store %arg7[%swap3A, %swap3A_35], %slice3A {strides = array<i32>} : memref<2000x40xf32, #tpu.memory_space<vmem>>, vector<2000x40xf32>,
    %slice3A_37 = vector.extract_strided_slice %dot_general3A_34 {offsets = [0, 40], sizes = [2000, 40], strides = [1, 1]} : vector<2000x80xf32> to vector<2000x40xf32>
    %swap3A_38 = arith.constant 0 : index
    %swap3A_39 = arith.constant 0 : index
    %swap3A_40 = vector.load %arg8[%swap3A_38, %swap3A_39] : memref<2000x40xf32, #tpu.memory_space<vmem>>, vector<2000x40xf32>
    tpu.vector_store %arg8[%swap3A_38, %swap3A_39], %slice3A_37 {strides = array<i32>} : memref<2000x40xf32, #tpu.memory_space<vmem>>, vector<2000x40xf32>,
    return
  }
  func.func @transform_0(%arg0: i32) -> (i32, i32) {
    %c0_i32 = arith.constant 0 : i32
    %c0_i32_0 = arith.constant 0 : i32
    return %arg0, %c0_i32 : i32, i32
  }
  func.func @transform_1(%arg0: i32) -> (i32, i32) {
    %c0_i32 = arith.constant 0 : i32
    %c0_i32_0 = arith.constant 0 : i32
    return %arg0, %c0_i32 : i32, i32
  }
  func.func @transform_2(%arg0: i32) -> (i32, i32) {
    %c0_i32 = arith.constant 0 : i32
    %c0_i32_0 = arith.constant 0 : i32
    return %arg0, %c0_i32 : i32, i32
  }
  func.func @transform_3(%arg0: i32) -> (i32, i32) {
    %c0_i32 = arith.constant 0 : i32
    %c0_i32_0 = arith.constant 0 : i32
    return %arg0, %c0_i32 : i32, i32
  }
  func.func @transform_4(%arg0: i32) -> (i32, i32) {
    %c0_i32 = arith.constant 0 : i32
    %c0_i32_0 = arith.constant 0 : i32
    %c0_i32_1 = arith.constant 0 : i32
    return %c0_i32, %c0_i32_0 : i32, i32
  }
  func.func @transform_5(%arg0: i32) -> (i32, i32) {
    %c0_i32 = arith.constant 0 : i32
    %c0_i32_0 = arith.constant 0 : i32
    %c0_i32_1 = arith.constant 0 : i32
    return %c0_i32, %c0_i32_0 : i32, i32
  }
  func.func @transform_6(%arg0: i32) -> (i32, i32) {
    %c0_i32 = arith.constant 0 : i32
    %c0_i32_0 = arith.constant 0 : i32
    return %arg0, %c0_i32 : i32, i32
  }
  func.func @transform_7(%arg0: i32) -> (i32, i32) {
    %c0_i32 = arith.constant 0 : i32
    %c0_i32_0 = arith.constant 0 : i32
    return %arg0, %c0_i32 : i32, i32
  }
}

module attributes {stable_mosaic.version = 14 : i64} {
  func.func @body(%arg0: i32, %arg1: memref<1000x40xf32, #tpu.memory_space<vmem>>, %arg2: memref<1000x40xf32, #tpu.memory_space<vmem>>, %arg3: memref<1000x40xf32, #tpu.memory_space<vmem>>, %arg4: memref<1000x1xf32, #tpu.memory_space<vmem>>, %arg5: memref<1x40xf32, #tpu.memory_space<vmem>>, %arg6: memref<1000x40xf32, #tpu.memory_space<vmem>>) attributes {dimension_semantics = [#tpu.dimension_semantics<arbitrary>], iteration_bounds = array<i64: 10>, scalar_prefetch = 0 : i64, scratch_operands = 0 : i64, tpu.core_type = #tpu.core_type<tc>, window_params = [{transform_indices = @transform_0, window_bounds = array<i64: 1000, 40>}, {transform_indices = @transform_1, window_bounds = array<i64: 1000, 40>}, {transform_indices = @transform_2, window_bounds = array<i64: 1000, 40>}, {transform_indices = @transform_3, window_bounds = array<i64: 1000, 1>}, {pipeline_mode = #tpu.pipeline_mode<synchronous>, transform_indices = @transform_4, window_bounds = array<i64: 1, 40>}, {transform_indices = @transform_5, window_bounds = array<i64: 1000, 40>}]} {
    %get3A = arith.constant 0 : index
    %get3A_0 = arith.constant 0 : index
    %get3A_1 = vector.load %arg4[%get3A, %get3A_0] : memref<1000x1xf32, #tpu.memory_space<vmem>>, vector<1000x1xf32>
    %max3A = arith.constant 1.000000e+00 : f32
    %max3A_2 = vector.broadcast %max3A : f32 to vector<1000x1xf32>
    %max3A_3 = arith.maximumf %get3A_1, %max3A_2 : vector<1000x1xf32>
    %div3A = arith.constant 1.000000e+00 : f32
    %div3A_4 = vector.broadcast %div3A : f32 to vector<1000x1xf32>
    %div3A_5 = arith.divf %div3A_4, %max3A_3 : vector<1000x1xf32>
    %get3A_6 = arith.constant 0 : index
    %get3A_7 = arith.constant 0 : index
    %get3A_8 = vector.load %arg1[%get3A_6, %get3A_7] : memref<1000x40xf32, #tpu.memory_space<vmem>>, vector<1000x40xf32>
    %get3A_9 = arith.constant 0 : index
    %get3A_10 = arith.constant 0 : index
    %get3A_11 = vector.load %arg2[%get3A_9, %get3A_10] : memref<1000x40xf32, #tpu.memory_space<vmem>>, vector<1000x40xf32>
    %get3A_12 = arith.constant 0 : index
    %get3A_13 = arith.constant 0 : index
    %get3A_14 = vector.load %arg3[%get3A_12, %get3A_13] : memref<1000x40xf32, #tpu.memory_space<vmem>>, vector<1000x40xf32>
    %add3A = arith.addf %get3A_11, %get3A_14 : vector<1000x40xf32>
    %mul3A = vector.broadcast %div3A_5 : vector<1000x1xf32> to vector<1000x40xf32>
    %mul3A_15 = arith.mulf %add3A, %mul3A : vector<1000x40xf32>
    %add3A_16 = arith.addf %get3A_8, %mul3A_15 : vector<1000x40xf32>
    %get3A_17 = arith.constant 0 : index
    %get3A_18 = arith.constant 0 : index
    %get3A_19 = vector.load %arg5[%get3A_17, %get3A_18] : memref<1x40xf32, #tpu.memory_space<vmem>>, vector<1x40xf32>
    %add3A_20 = vector.broadcast %get3A_19 : vector<1x40xf32> to vector<1000x40xf32>
    %add3A_21 = arith.addf %add3A_16, %add3A_20 : vector<1000x40xf32>
    %swap3A = arith.constant 0 : index
    %swap3A_22 = arith.constant 0 : index
    %swap3A_23 = vector.load %arg6[%swap3A, %swap3A_22] : memref<1000x40xf32, #tpu.memory_space<vmem>>, vector<1000x40xf32>
    tpu.vector_store %arg6[%swap3A, %swap3A_22], %add3A_21 {strides = array<i32>} : memref<1000x40xf32, #tpu.memory_space<vmem>>, vector<1000x40xf32>,
    return
  }
  func.func @transform_0(%arg0: i32) -> (i32, i32) {
    %c0_i32 = arith.constant 0 : i32
    %c0_i32_0 = arith.constant 0 : i32
    return %arg0, %c0_i32 : i32, i32
  }
  func.func @transform_1(%arg0: i32) -> (i32, i32) {
    %c0_i32 = arith.constant 0 : i32
    %c0_i32_0 = arith.constant 0 : i32
    return %arg0, %c0_i32 : i32, i32
  }
  func.func @transform_2(%arg0: i32) -> (i32, i32) {
    %c0_i32 = arith.constant 0 : i32
    %c0_i32_0 = arith.constant 0 : i32
    return %arg0, %c0_i32 : i32, i32
  }
  func.func @transform_3(%arg0: i32) -> (i32, i32) {
    %c0_i32 = arith.constant 0 : i32
    %c0_i32_0 = arith.constant 0 : i32
    return %arg0, %c0_i32 : i32, i32
  }
  func.func @transform_4(%arg0: i32) -> (i32, i32) {
    %c0_i32 = arith.constant 0 : i32
    %c0_i32_0 = arith.constant 0 : i32
    %c0_i32_1 = arith.constant 0 : i32
    return %c0_i32, %c0_i32_0 : i32, i32
  }
  func.func @transform_5(%arg0: i32) -> (i32, i32) {
    %c0_i32 = arith.constant 0 : i32
    %c0_i32_0 = arith.constant 0 : i32
    return %arg0, %c0_i32 : i32, i32
  }
}

</mosaic_0001>

<sc_bundles>
// kernel: kernel.10.cloned.1.call-start
scs
__scs_entry_jumppad:
0x0: {  	(pc) =	sbr.rel $0x88, $3  }
0x1: {  	(tag) =	ssettag $0x0;
	lr =	simm.s32 $0x1  }
0x2: {  	[smem:$0x3F99] =	sst lr;
	_ =	strace $0xD0000000  }
0x3: {  	_ = 	snop  }
0x4: {  	_ = 	snop  }
0x5: {  	_ = 	snop  }
0x6: {  	_ = 	snop  }
0x7: {  	_ = 	snop  }
__scs_overlays_trampoline_lowered:
0x8: {  	[smem:$0x3FA8] =	sst s0  }
0x9: {  	[smem:$0x3FA9] =	sst s1  }
0xa: {  	[smem:$0x3FAA] =	sst s2  }
0xb: {  	[smem:$0x3FAB] =	sst s3  }
0xc: {  	[smem:$0x3FAC] =	sst s4  }
0xd: {  	[smem:$0x3FAD] =	sst s5  }
0xe: {  	[smem:$0x3FAE] =	sst s6  }
0xf: {  	[smem:$0x3FAF] =	sst s7  }
0x10: {  	[smem:$0x3FB0] =	sst s8  }
0x11: {  	[smem:$0x3FB1] =	sst s9;
	s0 =	simm.s32 @!p0 $0x0  }
0x12: {  	s1 =	sld [smem:$0x3F97];
	s0 =	simm.s32 @p0 $0x1  }
0x13: {  	[smem:$0x3FB2] =	sst s0;
	s0 =	simm.s32 @!p1 $0x0  }
0x14: {  	s2 =	sld [smem:$0x3F96];
	s0 =	simm.s32 @p1 $0x1  }
0x15: {  	[smem:$0x3FB3] =	sst s0;
	s0 =	simm.s32 @!p2 $0x0  }
0x16: {  	s3 =	sld [smem:$0x3FDB];
	s0 =	simm.s32 @p2 $0x1  }
0x17: {  	s4 =	simm.s32 $0x1BF5;
	[smem:$0x3FB5] =	sst s0  }
0x18: {  	s0 =	sld [smem:$0x3F98];
	_ =	swait.ge [sflag:s4], $0x0  }
0x19: {  	s7 =	sld [smem:$0x3F99]  }
0x1a: {  	s8 =	sadd.s32 $0xFFFFE003, lr  }
0x1b: {  	s9 =	sadd.s32 $0xFFFFFEF7, lr;
	s5 =	simm.s32 $0xFFFFFFFF;
	p2 =	slt.u32 s8, $0xFFFFF086  }
0x1c: {  	p1 =	slt.u32 s9, $0xF7A;
	s5 =	simm.s32 @!p2 $0x0  }
0x1d: {  	s5 =	simm.s32 @p1 $0x1;
	p0 =	seq.s32 s7, s2  }
0x1e: {  	s7 =	smul.u32 @!p0 $0xF7A, s2;
	p2 =	seq.s32 @!p0 s5, $0x0  }
0x1f: {  	s9 =	smul.u32 $0xF7A, s1;
	s8 =	simm.s32 @!p0 $0x1BF5;
	p2 =	por !p2, p0  }
0x20: {  	[sflag:s8] =	ssyncset.s32 @!p0 $0xFFFFF086;
	s6 =	sadd.s32 @!p0 s3, s7;
	s7 =	simm.s32 @!p0 $0x108  }
0x21: {  	s3 =	sadd.s32 s3, s9;
	s6 =	sadd.s32 @!p0 $0x88, s6;
	s7 =	simm.s32 @p2 $0x1082  }
0x22: {  	[simem:s7], [sflag:s8] =	dma.local @!p0 [hbm:s6], $0xF7A  }
0x23: {  	s9 =	sor.u32 $0xD0000000, s2;
	s6 =	simm.s32 $0x108;
	_ =	swait.ge @!p0 [sflag:s8], $0x0  }
0x24: {  	s3 =	sadd.s32 $0x88, s3;
	s6 =	simm.s32 @!p1 $0x1082;
	[sflag:s4] =	ssyncset.s32 $0xFFFFF086  }
0x25: {  	[simem:s6], [sflag:s4] =	dma.local [hbm:s3], $0xF7A  }
0x26: {  	[smem:$0x3F99] =	sst s1;
	(tag) =	ssettag s2;
	_ =	strace s9  }
0x27: {  	s1 =	sld [smem:$0x3FA9]  }
0x28: {  	s2 =	sld [smem:$0x3FAA]  }
0x29: {  	s4 =	sld [smem:$0x3FAC]  }
0x2a: {  	p0 =	seq.s32 s5, $0x0;
	s5 =	sld [smem:$0x3FAD]  }
0x2b: {  	s6 =	sld [smem:$0x3FAE]  }
0x2c: {  	s7 =	sld [smem:$0x3FAF]  }
0x2d: {  	s3 =	simm.s32 $0x108;
	s8 =	sld [smem:$0x3FB0]  }
0x2e: {  	s3 =	simm.s32 @!p0 $0x1082;
	s9 =	sld [smem:$0x3FB1]  }
0x2f: {  	lr =	sadd.s32 s0, s3;
	s0 =	sld [smem:$0x3FA8]  }
0x30: {  	s3 =	sld [smem:$0x3FAB]  }
0x31: {  	[smem:$0x3FB4] =	sst s10  }
0x32: {  	s10 =	sld [smem:$0x3FB2];
	_ =	sdelay $0x3  }
0x33: {  	p0 =	seq.s32 s10, $0x1;
	s10 =	sld [smem:$0x3FB4];
	_ =	sdelay $0x3  }
0x34: {  	[smem:$0x3FB4] =	sst s10  }
0x35: {  	s10 =	sld [smem:$0x3FB3];
	_ =	sdelay $0x3  }
0x36: {  	p1 =	seq.s32 s10, $0x1;
	s10 =	sld [smem:$0x3FB4];
	_ =	sdelay $0x3  }
0x37: {  	[smem:$0x3FB4] =	sst s10  }
0x38: {  	s10 =	sld [smem:$0x3FB5]  }
0x39: {  	_ = 	snop;
	(pc) =	sbr.ind lr, $3  }
0x3a: {  	_ = 	snop  }
0x3b: {  	_ = 	snop  }
0x3c: {  	p2 =	seq.s32 s10, $0x1;
	s10 =	sld [smem:$0x3FB4]  }
0x3d: {  	_ =	shalt  }
0x3e: {  	_ =	shalt  }
0x3f: {  	_ =	shalt  }
0x40: {  	_ =	shalt  }
0x41: {  	_ =	shalt  }
0x42: {  	_ =	shalt  }
0x43: {  	_ =	shalt  }
0x44: {  	_ =	shalt  }
0x45: {  	_ =	shalt  }
0x46: {  	_ =	shalt  }
0x47: {  	_ =	shalt  }
0x48: {  	_ =	shalt  }
0x49: {  	_ =	shalt  }
0x4a: {  	_ =	shalt  }
0x4b: {  	_ =	shalt  }
0x4c: {  	_ =	shalt  }
0x4d: {  	_ =	shalt  }
0x4e: {  	_ =	shalt  }
0x4f: {  	_ =	shalt  }
0x50: {  	_ =	shalt  }
0x51: {  	_ =	shalt  }
0x52: {  	_ =	shalt  }
0x53: {  	_ =	shalt  }
0x54: {  	_ =	shalt  }
0x55: {  	_ =	shalt  }
0x56: {  	_ =	shalt  }
0x57: {  	_ =	shalt  }
0x58: {  	_ =	shalt  }
0x59: {  	_ =	shalt  }
0x5a: {  	_ =	shalt  }
0x5b: {  	_ =	shalt  }
0x5c: {  	_ =	shalt  }
0x5d: {  	_ =	shalt  }
0x5e: {  	_ =	shalt  }
0x5f: {  	_ =	shalt  }
0x60: {  	_ =	shalt  }
0x61: {  	_ =	shalt  }
0x62: {  	_ =	shalt  }
0x63: {  	_ =	shalt  }
0x64: {  	_ =	shalt  }
0x65: {  	_ =	shalt  }
0x66: {  	_ =	shalt  }
0x67: {  	_ =	shalt  }
0x68: {  	_ =	shalt  }
0x69: {  	_ =	shalt  }
0x6a: {  	_ =	shalt  }
0x6b: {  	_ =	shalt  }
0x6c: {  	_ =	shalt  }
0x6d: {  	_ =	shalt  }
0x6e: {  	_ =	shalt  }
0x6f: {  	_ =	shalt  }
0x70: {  	_ =	shalt  }
0x71: {  	_ =	shalt  }
0x72: {  	_ =	shalt  }
0x73: {  	_ =	shalt  }
0x74: {  	_ =	shalt  }
0x75: {  	_ =	shalt  }
0x76: {  	_ =	shalt  }
0x77: {  	_ =	shalt  }
0x78: {  	_ =	shalt  }
0x79: {  	_ =	shalt  }
0x7a: {  	_ =	shalt  }
0x7b: {  	_ =	shalt  }
0x7c: {  	_ =	shalt  }
0x7d: {  	_ =	shalt  }
0x7e: {  	_ =	shalt  }
0x7f: {  	_ =	shalt  }
0x80: {  	_ =	shalt  }
0x81: {  	_ =	shalt  }
0x82: {  	_ =	shalt  }
0x83: {  	_ =	shalt  }
0x84: {  	_ =	shalt  }
0x85: {  	_ =	shalt  }
0x86: {  	_ =	shalt  }
0x87: {  	_ =	shalt  }
.Lfunc_end0:
.L_simem_size_0:
called_computation.1_lowered:
.L_overlay_start_0:
0x88: {  	s2 =	sld [smem:$0x3FD9]  }
0x89: {  	s3 =	sld [smem:$0x3FFE];
	_ =	sdelay $0x1  }
0x8a: {  	s1 =	srdreg.scid  }
0x8b: {  	s0 =	sand.u32 $0x1, s1  }
0x8c: {  	s17 =	sshll.u32 s0, $0xA;
	s2 =	sadd.s32 s3, s2  }
0x8d: {  	s2 =	sadd.s32 s2, s17  }
0x8e: {  	[smem:$0x3FC0] =	sst s2  }
0x8f: {  	_ = 	snop  }
0x90: {  	s2 =	sld [smem:$0x3FD0];
	(tm) =	ssettm $0x1  }
0x91: {  	s18 =	sld [smem:$0x3FFB];
	_ =	sdelay $0x3  }
0x92: {  	_ =	strace s18  }
0x93: {  	s3 =	sld [smem:$0x3FFC];
	_ =	sdelay $0x3  }
0x94: {  	_ =	strace s3  }
0x95: {  	s3 =	sld [smem:$0x3FFD];
	_ =	sdelay $0x3  }
0x96: {  	_ =	strace s3  }
0x97: {  	_ =	strace $0x8FFFFFFF  }
0x98: {  	s19 =	sld [smem:$0x3FDB];
	_ =	sdelay $0x1  }
0x99: {  	s4 =	simm.s32 $_scs_section_size  }
0x9a: {  	s5 =	simm.s32 $_size__tile_overlayer_lowered;
	s6 =	simm.s32 $_tile_overlayer_lowered  }
0x9b: {  	s22 =	simm.s32 $0x1BFF;
	s21 =	sshll.u32 s6, $0x1;
	s3 =	sadd.s32 s4, s19  }
0x9c: {  	s7 =	simm.s32 $0x0;
	s20 =	sshll.u32 s5, $0x1;
	s5 =	sadd.s32 s21, s3  }
0x9d: {  	[timem:s7], [sflag:s22] =	dma.local [hbm:s5], s20  }
0x9e: {  	_ =	swait.ge [sflag:s22], s20  }
0x9f: {  	s4 =	ssub.s32 $0x0, s20;
	[sflag:s22] =	ssyncset.done $0x0  }
0xa0: {  	[sflag:s22] =	ssyncadd.s32 s4;
	_ =	sdelay $0x1  }
0xa1: {  	s23 =	simm.s32 $0x1B8B  }
0xa2: {  	_ =	swait.ge [sflag:s23], $0x1  }
0xa3: {  	[sflag:s23] =	ssyncset.done $0x0  }
0xa4: {  	s25 =	simm.s32 $0x1B8E;
	s24 =	sld [smem:$0x3FFE];
	[sflag:s23] =	ssyncadd.s32 $0xFFFFFFFF  }
0xa5: {  	s26 =	simm.s32 $execute0_lowered;
	[smem:$0x3FD2] =	sst s25  }
0xa6: {  	s5 =	sshll.u32 s26, $0x1;
	_ =	strace $0x80000049;
	[dreg:$0x1] =	wrdreg $0xFFFFFFFF  }
0xa7: {  	s28 =	simm.s32 $_size_execute0_lowered;
	s3 =	sadd.s32 s3, s5;
	[dreg:$0x0] =	wrdreg $0x0  }
0xa8: {  	s5 =	sshll.u32 s28, $0x1;
	[dreg:$0x2] =	wrdreg s3  }
0xa9: {  	[dreg:$0x3] =	wrdreg s5  }
0xaa: {  	[dreg:$0x4] =	wrdreg $0xC0  }
0xab: {  	_ =	task [dreg:s7], $0x5FFFF  }
0xac: {  	[dreg:$0x1] =	wrdreg $0xFFFFFFFF  }
0xad: {  	[dreg:$0x0] =	wrdreg $0x60  }
0xae: {  	[dreg:$0x2] =	wrdreg s2  }
0xaf: {  	[dreg:$0x3] =	wrdreg s24  }
0xb0: {  	[dreg:$0x4] =	wrdreg $0x51000  }
0xb1: {  	[dreg:$0x5] =	wrdreg $0x9  }
0xb2: {  	_ =	task.clear_ibuf [dreg:s7], $0x6FFFF;
	_ =	strace $0x90000049  }
0xb3: {  	s29 =	simm.s32 $0x9;
	_ =	strace $0x8000004B  }
0xb4: {  	_ =	swait.ge [sflag:s29], $0x1  }
0xb5: {  	[sflag:s29] =	ssyncadd.s32 $0xFFFFFFFF  }
0xb6: {  	_ =	strace $0x9000004B  }
0xb7: {  	_ =	sfence  }
0xb8: {  	s30 =	sld [smem:$0x0];
	_ =	sdelay $0x2  }
0xb9: {  	s31 =	sshll.u32 s1, $0xD;
	s1 =	sshrl.u32 s1, $0x2  }
0xba: {  	s3 =	sand.u32 $0x4000, s31;
	s1 =	sadd.s32 s1, s30  }
0xbb: {  	s0 =	sor.u32 s3, s0;
	s1 =	sshll.u32 s1, $0x11  }
0xbc: {  	s0 =	sor.u32 s1, s0  }
0xbd: {  	s0 =	sadd.s32 $0x8F2B, s0  }
0xbe: {  	[sflag:s0] =	ssyncadd.remote.s32 $0x1  }
0xbf: {  	_ =	sfence.sel $0xFFFF  }
0xc0: {  	[dreg:$0x0] =	wrdreg $0xFFFFFFFF;
	(pc) =	sbr.abs _section_cstart, $3  }
0xc1: {  	[dreg:$0x1] =	wrdreg $0xFFFFFFFF  }
0xc2: {  	_ =	task.clear_ibuf [dreg:s7], $0x2FFFF;
	_ =	strace $0x9FFFFFFF  }
0xc3: {  	(tm) =	ssettm $0x7FFFFFFF  }
tec
execute0_lowered:
.L_overlay_start_1:
0x0: {  	(tag) =	ssettag $0x1  }
0x1: {  	s1 =	rddreg [dreg:$0x0]  }
0x2: {  	s8 =	rddreg [dreg:$0x1]  }
0x3: {  	s0 =	srdreg.scid;
	s3 =	rddreg [dreg:$0x2]  }
0x4: {  	s4 =	simm.s32 $0x0;
	s12 =	simm.s32 $0x3C00;
	s14 =	simm.s32 $0x80  }
0x5: {  	s15 =	simm.s32 $0x2900;
	s16 =	simm.s32 $0x3D00;
	s17 =	simm.s32 $0x1  }
0x6: {  	s18 =	simm.s32 $0x2;
	s19 =	simm.s32 $0x1380;
	s20 =	simm.s32 $0x2780  }
0x7: {  	s21 =	simm.s32 $0x2800;
	s22 =	simm.s32 $0x0;
	s6 =	sand.u32 $0x1, s0  }
0x8: {  	s0 =	stileid.u32;
	[smem:$0x7FF] =	sst s4;
	s2 =	sshll.u32 s6, $0x4  }
0x9: {  	s7 =	ssub.s32 $0x2, s6;
	s11 =	smul.u32 $0x6400, s0;
	s31 =	sshll.u32 s0, $0x6  }
0xa: {  	p0 =	seq.s32 s6, $0x1;
	s5 =	sor.u32 s0, s2;
	s2 =	rddreg [dreg:$0x3]  }
0xb: {  	_ =	strace $0x8000004A;
	s10 =	sshrl.u32 s7, $0x1;
	s5 =	smul.u32 $0x280, s5  }
0xc: {  	s6 =	sor.u32 $0x1C03, s31;
	s12 =	simm.s32 @!p0 $0x10400;
	s10 =	ssub.s32 s7, s10  }
0xd: {  	s13 =	sadd.s32 s11, s3;
	s11 =	sshrl.u32 s11, $0x3;
	s9 =	sadd.s32 s5, s8  }
0xe: {  	s12 =	sadd.s32 s12, s8;
	s5 =	sadd.s32 $0x2E00, s8;
	s7 =	sadd.s32 $0x2A200, s9  }
0xf: {  	s8 =	sadd.s32 $0x2F200, s9;
	s9 =	smax.u32 s10, $0x1;
	s10 =	sadd.s32 s12, s11  }
0x10: {  	s11 =	sshrl.u32 s13, $0x3;
	s12 =	simm.s32 $0x3;
	s13 =	simm.s32 $0x1480  }
.LBB2_1:
0x11: {  	[spmem:s11], [sflag:s6] =	dma.local [hbm:s5], $0xC80  }
0x12: {  	_ =	swait.ge [sflag:s12], $0xC80  }
0x13: {  	[sflag:s12] =	ssyncset.done $0x0  }
0x14: {  	[sflag:s12] =	ssyncadd.s32 $0xFFFFF380  }
0x15: {  	[tilespmem:s4], [sflag:$0x3] =	stream.linear.gather [hbm4b:s7+s4], $0x1400, $0x38;
	[tilespmem:$0xB500] =	vst v63  }
0x16: {  	_ =	swait.ge [sflag:s12], $0x1400  }
0x17: {  	[sflag:s12] =	ssyncset.done $0x0  }
0x18: {  	[sflag:s12] =	ssyncadd.s32 $0xFFFFEC00  }
0x19: {  	[tilespmem:s13], [sflag:$0x3] =	stream.linear.gather [hbm4b:s8+s4], $0x1400, $0x38;
	[tilespmem:$0xB500] =	vst v63  }
0x1a: {  	_ =	swait.ge [sflag:s12], $0x1400  }
0x1b: {  	[sflag:s12] =	ssyncset.done $0x0  }
0x1c: {  	[sflag:s12] =	ssyncadd.s32 $0xFFFFEC00  }
0x1d: {  	[bflag:$0x0] =	sbarrier.arrive $0xFFFF  }
0x1e: {  	[tilespmem:s15], [sflag:$0x1] =	stream.indirect.gather [hbm4b:s1+s14], $0x28, s4, s14, $0xb8;
	[tilespmem:$0xB500] =	vst v63  }
0x1f: {  	s23 =	simm.s32 $0x80  }
0x20: {  	[tilespmem:s16], [sflag:$0x2] =	stream.indirect.gather [hbm4b:s1+s14], $0x28, s23, s14, $0xb8;
	[tilespmem:$0xB500] =	vst v63  }
0x21: {  	_ =	swait.ge [sflag:s17], $0x1400  }
0x22: {  	[sflag:s17] =	ssyncset.done $0x0  }
0x23: {  	s29 =	simm.s32 $0x1480;
	[sflag:s17] =	ssyncadd.s32 $0xFFFFEC00  }
0x24: {  	[spmem:s3] =	stream.indirect.scatter.add.f32 [tilespmem:s15], [sflag:$0x3], $0x28, s29, s14, $0xb8;
	[tilespmem:$0xB500] =	vst v63  }
0x25: {  	_ =	swait.ge [sflag:s12], $0x1400  }
0x26: {  	[sflag:s12] =	ssyncset.done $0x0  }
0x27: {  	s30 =	simm.s32 $0x100;
	[sflag:s12] =	ssyncadd.s32 $0xFFFFEC00  }
0x28: {  	[tilespmem:s15], [sflag:$0x1] =	stream.indirect.gather [hbm4b:s1+s14], $0x28, s30, s14, $0xb8;
	[tilespmem:$0xB500] =	vst v63  }
0x29: {  	_ =	swait.ge [sflag:s18], $0x1400  }
0x2a: {  	[sflag:s18] =	ssyncset.done $0x0  }
0x2b: {  	s31 =	simm.s32 $0x1500;
	[sflag:s18] =	ssyncadd.s32 $0xFFFFEC00  }
0x2c: {  	[spmem:s3] =	stream.indirect.scatter.add.f32 [tilespmem:s16], [sflag:$0x3], $0x28, s31, s14, $0xb8;
	[tilespmem:$0xB500] =	vst v63  }
0x2d: {  	_ =	swait.ge [sflag:s12], $0x1400  }
0x2e: {  	s24 =	simm.s32 $0x800;
	s23 =	simm.s32 $0x100;
	[sflag:s12] =	ssyncset.done $0x0  }
.LBB2_2:
0x2f: {  	s25 =	sadd.s32 $0x80, s23  }
0x30: {  	[sflag:s12] =	ssyncadd.s32 $0xFFFFEC00;
	s26 =	smov.u32 s24;
	s28 =	sadd.s32 $0x400, s24  }
0x31: {  	[tilespmem:s16], [sflag:$0x2] =	stream.indirect.gather [hbm4b:s1+s14], $0x28, s25, s14, $0xb8;
	[tilespmem:$0xB500] =	vst v63  }
0x32: {  	p0 =	sne.s32 s24, $0x4800;
	_ =	swait.ge [sflag:s17], $0x1400  }
0x33: {  	[sflag:s17] =	ssyncset.done $0x0  }
0x34: {  	s24 =	sadd.s32 $0x1480, s23;
	[sflag:s17] =	ssyncadd.s32 $0xFFFFEC00  }
0x35: {  	[spmem:s3] =	stream.indirect.scatter.add.f32 [tilespmem:s15], [sflag:$0x3], $0x28, s24, s14, $0xb8;
	[tilespmem:$0xB500] =	vst v63  }
0x36: {  	_ =	swait.ge [sflag:s12], $0x1400  }
0x37: {  	[sflag:s12] =	ssyncset.done $0x0  }
0x38: {  	s24 =	sadd.s32 $0x100, s23;
	[sflag:s12] =	ssyncadd.s32 $0xFFFFEC00  }
0x39: {  	[tilespmem:s15], [sflag:$0x1] =	stream.indirect.gather [hbm4b:s1+s14], $0x28, s24, s14, $0xb8;
	[tilespmem:$0xB500] =	vst v63  }
0x3a: {  	_ =	swait.ge [sflag:s18], $0x1400  }
.Ltmp0:
0x3b: {  	[sflag:s18] =	ssyncset.done $0x0;
	(pc) =	sbr.rel @p0 .LBB2_2-.Ltmp0, $4  }
0x3c: {  	s23 =	sadd.s32 $0x1500, s23;
	[sflag:s18] =	ssyncadd.s32 $0xFFFFEC00  }
0x3d: {  	[spmem:s3] =	stream.indirect.scatter.add.f32 [tilespmem:s16], [sflag:$0x3], $0x28, s23, s14, $0xb8;
	[tilespmem:$0xB500] =	vst v63  }
0x3e: {  	_ =	swait.ge [sflag:s12], $0x1400  }
0x3f: {  	s24 =	smov.u32 s28;
	s23 =	sshra.s32 s26, $0x2;
	[sflag:s12] =	ssyncset.done $0x0  }
0x40: {  	s24 =	sadd.s32 $0x80, s23;
	[sflag:s12] =	ssyncadd.s32 $0xFFFFEC00  }
0x41: {  	[tilespmem:s16], [sflag:$0x2] =	stream.indirect.gather [hbm4b:s1+s14], $0x28, s24, s14, $0xb8;
	[tilespmem:$0xB500] =	vst v63  }
0x42: {  	_ =	swait.ge [sflag:s17], $0x1400  }
0x43: {  	[sflag:s17] =	ssyncset.done $0x0  }
0x44: {  	s29 =	sadd.s32 $0x1480, s23;
	[sflag:s17] =	ssyncadd.s32 $0xFFFFEC00  }
0x45: {  	[spmem:s3] =	stream.indirect.scatter.add.f32 [tilespmem:s15], [sflag:$0x3], $0x28, s29, s14, $0xb8;
	[tilespmem:$0xB500] =	vst v63  }
0x46: {  	_ =	swait.ge [sflag:s12], $0x1400  }
0x47: {  	[sflag:s12] =	ssyncset.done $0x0  }
0x48: {  	s30 =	sadd.s32 $0x100, s23;
	[sflag:s12] =	ssyncadd.s32 $0xFFFFEC00  }
0x49: {  	[tilespmem:s15], [sflag:$0x1] =	stream.indirect.gather [hbm4b:s1+s14], $0x28, s30, s14, $0xb8;
	[tilespmem:$0xB500] =	vst v63  }
0x4a: {  	_ =	swait.ge [sflag:s18], $0x1400  }
0x4b: {  	[sflag:s18] =	ssyncset.done $0x0  }
0x4c: {  	s31 =	sadd.s32 $0x1500, s23;
	[sflag:s18] =	ssyncadd.s32 $0xFFFFEC00  }
0x4d: {  	[spmem:s3] =	stream.indirect.scatter.add.f32 [tilespmem:s16], [sflag:$0x3], $0x28, s31, s14, $0xb8;
	[tilespmem:$0xB500] =	vst v63  }
0x4e: {  	_ =	swait.ge [sflag:s12], $0x1400  }
0x4f: {  	[sflag:s12] =	ssyncset.done $0x0  }
0x50: {  	[sflag:s12] =	ssyncadd.s32 $0xFFFFEC00  }
0x51: {  	[tilespmem:s16], [sflag:$0x2] =	stream.indirect.gather [hbm4b:s1+s14], $0x28, s19, s14, $0xb8;
	[tilespmem:$0xB500] =	vst v63  }
0x52: {  	_ =	swait.ge [sflag:s17], $0x1400  }
0x53: {  	[sflag:s17] =	ssyncset.done $0x0  }
0x54: {  	[sflag:s17] =	ssyncadd.s32 $0xFFFFEC00  }
0x55: {  	[spmem:s3] =	stream.indirect.scatter.add.f32 [tilespmem:s15], [sflag:$0x3], $0x28, s20, s14, $0xb8;
	[tilespmem:$0xB500] =	vst v63  }
0x56: {  	_ =	swait.ge [sflag:s12], $0x1400  }
0x57: {  	[sflag:s12] =	ssyncset.done $0x0  }
0x58: {  	[sflag:s12] =	ssyncadd.s32 $0xFFFFEC00  }
0x59: {  	[tilespmem:s15], [sflag:$0x1] =	stream.indirect.gather [hbm4b:s1+s14], $0x28, s19, s14, $0xb8;
	[tilespmem:$0xB500] =	vst v63  }
0x5a: {  	_ =	swait.ge [sflag:s18], $0x1400  }
0x5b: {  	[sflag:s18] =	ssyncset.done $0x0  }
0x5c: {  	[sflag:s18] =	ssyncadd.s32 $0xFFFFEC00  }
0x5d: {  	[spmem:s3] =	stream.indirect.scatter.add.f32 [tilespmem:s16], [sflag:$0x3], $0x28, s21, s14, $0xb8;
	[tilespmem:$0xB500] =	vst v63  }
0x5e: {  	_ =	swait.ge [sflag:s12], $0x1400  }
0x5f: {  	[sflag:s12] =	ssyncset.done $0x0  }
0x60: {  	[sflag:s12] =	ssyncadd.s32 $0xFFFFEC00  }
0x61: {  	_ =	swait.ge [sflag:s17], $0x1400  }
0x62: {  	s22 =	sadd.s32 $0x1, s22;
	[sflag:s17] =	ssyncset.done $0x0  }
0x63: {  	p0 =	sne.s32 s22, s9;
	[sflag:s17] =	ssyncadd.s32 $0xFFFFEC00  }
.Ltmp1:
0x64: {  	[bflag:$0x0] =	sbarrier.arrive $0xFFFF;
	(pc) =	sbr.rel @p0 .LBB2_1-.Ltmp1, $4  }
0x65: {  	[hbm:s10], [sflag:s6] =	dma.local [spmem:s11], $0xC80  }
0x66: {  	_ =	swait.ge [sflag:s12], $0xC80  }
0x67: {  	[sflag:s12] =	ssyncset.done $0x0  }
0x68: {  	[sflag:s12] =	ssyncadd.s32 $0xFFFFF380  }
0x69: {  	_ =	sfence.sel $0x180000  }
0x6a: {  	[bflag:$0x0] =	sbarrier.arrive $0xFFFF  }
0x6b: {  	p0 =	sne.s32 s0, $0x0;
	_ =	strace $0x9000004A  }
0x6c: {  	s0 =	sadd.s32 @!p0 $0x100000, s2;
	[bflag:$0x2] =	sbarrier.arrive $0xFFFF  }
0x6d: {  	[sflag:s0] =	ssyncadd.tile.s32 @!p0 $0x1;
	_ =	shalt  }
.Lfunc_end2:
_tile_overlayer_lowered:
.L_overlay_start_2:
0x6e: {  	(tag) =	ssettag $0x2  }
0x6f: {  	s0 =	rddreg [dreg:$0x0];
	s2 =	stileid.u32  }
0x70: {  	s1 =	rddreg [dreg:$0x1];
	p0 =	sne.s32 s2, $0x0  }
0x71: {  	s3 =	rddreg [dreg:$0x2];
	[bflag:$0x3] =	sbarrier.arrive $0xFFFF;
	s2 =	simm.s32 @!p0 $0x1C03  }
0x72: {  	[timem:s3], [sflag:s2] =	dma.local @!p0 [hbm:s0], s1  }
0x73: {  	s0 =	simm.s32 @!p0 $0x3  }
0x74: {  	_ =	swait.ge @!p0 [sflag:s0], s1  }
0x75: {  	s1 =	ssub.s32 @!p0 $0x0, s1;
	[sflag:s0] =	ssyncset.done @!p0 $0x0  }
0x76: {  	[sflag:s0] =	ssyncadd.s32 @!p0 s1  }
0x77: {  	[bflag:$0x3] =	sbarrier.arrive $0xFFFF  }
0x78: {  	_ =	shalt  }

// kernel: kernel.7.cloned.1.call-start
scs
__scs_entry_jumppad:
0x0: {  	(pc) =	sbr.rel $0x88, $3  }
0x1: {  	(tag) =	ssettag $0x0;
	lr =	simm.s32 $0x1  }
0x2: {  	[smem:$0x3F99] =	sst lr;
	_ =	strace $0xD0000000  }
0x3: {  	_ = 	snop  }
0x4: {  	_ = 	snop  }
0x5: {  	_ = 	snop  }
0x6: {  	_ = 	snop  }
0x7: {  	_ = 	snop  }
__scs_overlays_trampoline_lowered:
0x8: {  	[smem:$0x3FA8] =	sst s0  }
0x9: {  	[smem:$0x3FA9] =	sst s1  }
0xa: {  	[smem:$0x3FAA] =	sst s2  }
0xb: {  	[smem:$0x3FAB] =	sst s3  }
0xc: {  	[smem:$0x3FAC] =	sst s4  }
0xd: {  	[smem:$0x3FAD] =	sst s5  }
0xe: {  	[smem:$0x3FAE] =	sst s6  }
0xf: {  	[smem:$0x3FAF] =	sst s7  }
0x10: {  	[smem:$0x3FB0] =	sst s8  }
0x11: {  	[smem:$0x3FB1] =	sst s9;
	s0 =	simm.s32 @!p0 $0x0  }
0x12: {  	s1 =	sld [smem:$0x3F97];
	s0 =	simm.s32 @p0 $0x1  }
0x13: {  	[smem:$0x3FB2] =	sst s0;
	s0 =	simm.s32 @!p1 $0x0  }
0x14: {  	s2 =	sld [smem:$0x3F96];
	s0 =	simm.s32 @p1 $0x1  }
0x15: {  	[smem:$0x3FB3] =	sst s0;
	s0 =	simm.s32 @!p2 $0x0  }
0x16: {  	s3 =	sld [smem:$0x3FDB];
	s0 =	simm.s32 @p2 $0x1  }
0x17: {  	s4 =	simm.s32 $0x1BF5;
	[smem:$0x3FB5] =	sst s0  }
0x18: {  	s0 =	sld [smem:$0x3F98];
	_ =	swait.ge [sflag:s4], $0x0  }
0x19: {  	s7 =	sld [smem:$0x3F99]  }
0x1a: {  	s8 =	sadd.s32 $0xFFFFE003, lr  }
0x1b: {  	s9 =	sadd.s32 $0xFFFFFEF7, lr;
	s5 =	simm.s32 $0xFFFFFFFF;
	p2 =	slt.u32 s8, $0xFFFFF086  }
0x1c: {  	p1 =	slt.u32 s9, $0xF7A;
	s5 =	simm.s32 @!p2 $0x0  }
0x1d: {  	s5 =	simm.s32 @p1 $0x1;
	p0 =	seq.s32 s7, s2  }
0x1e: {  	s7 =	smul.u32 @!p0 $0xF7A, s2;
	p2 =	seq.s32 @!p0 s5, $0x0  }
0x1f: {  	s9 =	smul.u32 $0xF7A, s1;
	s8 =	simm.s32 @!p0 $0x1BF5;
	p2 =	por !p2, p0  }
0x20: {  	[sflag:s8] =	ssyncset.s32 @!p0 $0xFFFFF086;
	s6 =	sadd.s32 @!p0 s3, s7;
	s7 =	simm.s32 @!p0 $0x108  }
0x21: {  	s3 =	sadd.s32 s3, s9;
	s6 =	sadd.s32 @!p0 $0x88, s6;
	s7 =	simm.s32 @p2 $0x1082  }
0x22: {  	[simem:s7], [sflag:s8] =	dma.local @!p0 [hbm:s6], $0xF7A  }
0x23: {  	s9 =	sor.u32 $0xD0000000, s2;
	s6 =	simm.s32 $0x108;
	_ =	swait.ge @!p0 [sflag:s8], $0x0  }
0x24: {  	s3 =	sadd.s32 $0x88, s3;
	s6 =	simm.s32 @!p1 $0x1082;
	[sflag:s4] =	ssyncset.s32 $0xFFFFF086  }
0x25: {  	[simem:s6], [sflag:s4] =	dma.local [hbm:s3], $0xF7A  }
0x26: {  	[smem:$0x3F99] =	sst s1;
	(tag) =	ssettag s2;
	_ =	strace s9  }
0x27: {  	s1 =	sld [smem:$0x3FA9]  }
0x28: {  	s2 =	sld [smem:$0x3FAA]  }
0x29: {  	s4 =	sld [smem:$0x3FAC]  }
0x2a: {  	p0 =	seq.s32 s5, $0x0;
	s5 =	sld [smem:$0x3FAD]  }
0x2b: {  	s6 =	sld [smem:$0x3FAE]  }
0x2c: {  	s7 =	sld [smem:$0x3FAF]  }
0x2d: {  	s3 =	simm.s32 $0x108;
	s8 =	sld [smem:$0x3FB0]  }
0x2e: {  	s3 =	simm.s32 @!p0 $0x1082;
	s9 =	sld [smem:$0x3FB1]  }
0x2f: {  	lr =	sadd.s32 s0, s3;
	s0 =	sld [smem:$0x3FA8]  }
0x30: {  	s3 =	sld [smem:$0x3FAB]  }
0x31: {  	[smem:$0x3FB4] =	sst s10  }
0x32: {  	s10 =	sld [smem:$0x3FB2];
	_ =	sdelay $0x3  }
0x33: {  	p0 =	seq.s32 s10, $0x1;
	s10 =	sld [smem:$0x3FB4];
	_ =	sdelay $0x3  }
0x34: {  	[smem:$0x3FB4] =	sst s10  }
0x35: {  	s10 =	sld [smem:$0x3FB3];
	_ =	sdelay $0x3  }
0x36: {  	p1 =	seq.s32 s10, $0x1;
	s10 =	sld [smem:$0x3FB4];
	_ =	sdelay $0x3  }
0x37: {  	[smem:$0x3FB4] =	sst s10  }
0x38: {  	s10 =	sld [smem:$0x3FB5]  }
0x39: {  	_ = 	snop;
	(pc) =	sbr.ind lr, $3  }
0x3a: {  	_ = 	snop  }
0x3b: {  	_ = 	snop  }
0x3c: {  	p2 =	seq.s32 s10, $0x1;
	s10 =	sld [smem:$0x3FB4]  }
0x3d: {  	_ =	shalt  }
0x3e: {  	_ =	shalt  }
0x3f: {  	_ =	shalt  }
0x40: {  	_ =	shalt  }
0x41: {  	_ =	shalt  }
0x42: {  	_ =	shalt  }
0x43: {  	_ =	shalt  }
0x44: {  	_ =	shalt  }
0x45: {  	_ =	shalt  }
0x46: {  	_ =	shalt  }
0x47: {  	_ =	shalt  }
0x48: {  	_ =	shalt  }
0x49: {  	_ =	shalt  }
0x4a: {  	_ =	shalt  }
0x4b: {  	_ =	shalt  }
0x4c: {  	_ =	shalt  }
0x4d: {  	_ =	shalt  }
0x4e: {  	_ =	shalt  }
0x4f: {  	_ =	shalt  }
0x50: {  	_ =	shalt  }
0x51: {  	_ =	shalt  }
0x52: {  	_ =	shalt  }
0x53: {  	_ =	shalt  }
0x54: {  	_ =	shalt  }
0x55: {  	_ =	shalt  }
0x56: {  	_ =	shalt  }
0x57: {  	_ =	shalt  }
0x58: {  	_ =	shalt  }
0x59: {  	_ =	shalt  }
0x5a: {  	_ =	shalt  }
0x5b: {  	_ =	shalt  }
0x5c: {  	_ =	shalt  }
0x5d: {  	_ =	shalt  }
0x5e: {  	_ =	shalt  }
0x5f: {  	_ =	shalt  }
0x60: {  	_ =	shalt  }
0x61: {  	_ =	shalt  }
0x62: {  	_ =	shalt  }
0x63: {  	_ =	shalt  }
0x64: {  	_ =	shalt  }
0x65: {  	_ =	shalt  }
0x66: {  	_ =	shalt  }
0x67: {  	_ =	shalt  }
0x68: {  	_ =	shalt  }
0x69: {  	_ =	shalt  }
0x6a: {  	_ =	shalt  }
0x6b: {  	_ =	shalt  }
0x6c: {  	_ =	shalt  }
0x6d: {  	_ =	shalt  }
0x6e: {  	_ =	shalt  }
0x6f: {  	_ =	shalt  }
0x70: {  	_ =	shalt  }
0x71: {  	_ =	shalt  }
0x72: {  	_ =	shalt  }
0x73: {  	_ =	shalt  }
0x74: {  	_ =	shalt  }
0x75: {  	_ =	shalt  }
0x76: {  	_ =	shalt  }
0x77: {  	_ =	shalt  }
0x78: {  	_ =	shalt  }
0x79: {  	_ =	shalt  }
0x7a: {  	_ =	shalt  }
0x7b: {  	_ =	shalt  }
0x7c: {  	_ =	shalt  }
0x7d: {  	_ =	shalt  }
0x7e: {  	_ =	shalt  }
0x7f: {  	_ =	shalt  }
0x80: {  	_ =	shalt  }
0x81: {  	_ =	shalt  }
0x82: {  	_ =	shalt  }
0x83: {  	_ =	shalt  }
0x84: {  	_ =	shalt  }
0x85: {  	_ =	shalt  }
0x86: {  	_ =	shalt  }
0x87: {  	_ =	shalt  }
.Lfunc_end0:
.L_simem_size_0:
called_computation_lowered:
.L_overlay_start_0:
0x88: {  	s2 =	sld [smem:$0x3FD9]  }
0x89: {  	s3 =	sld [smem:$0x3FFE];
	_ =	sdelay $0x1  }
0x8a: {  	s1 =	srdreg.scid  }
0x8b: {  	s0 =	sand.u32 $0x1, s1  }
0x8c: {  	s17 =	sshll.u32 s0, $0xA;
	s2 =	sadd.s32 s3, s2  }
0x8d: {  	s2 =	sadd.s32 s2, s17  }
0x8e: {  	[smem:$0x3FC0] =	sst s2  }
0x8f: {  	_ = 	snop  }
0x90: {  	s2 =	sld [smem:$0x3FD0];
	(tm) =	ssettm $0x1  }
0x91: {  	s18 =	sld [smem:$0x3FFB];
	_ =	sdelay $0x3  }
0x92: {  	_ =	strace s18  }
0x93: {  	s3 =	sld [smem:$0x3FFC];
	_ =	sdelay $0x3  }
0x94: {  	_ =	strace s3  }
0x95: {  	s3 =	sld [smem:$0x3FFD];
	_ =	sdelay $0x3  }
0x96: {  	_ =	strace s3  }
0x97: {  	_ =	strace $0x8FFFFFFF  }
0x98: {  	s19 =	sld [smem:$0x3FDB];
	_ =	sdelay $0x1  }
0x99: {  	s4 =	simm.s32 $_scs_section_size  }
0x9a: {  	s5 =	simm.s32 $_size__tile_overlayer_lowered;
	s6 =	simm.s32 $_tile_overlayer_lowered  }
0x9b: {  	s22 =	simm.s32 $0x1BFF;
	s21 =	sshll.u32 s6, $0x1;
	s3 =	sadd.s32 s4, s19  }
0x9c: {  	s7 =	simm.s32 $0x0;
	s20 =	sshll.u32 s5, $0x1;
	s5 =	sadd.s32 s21, s3  }
0x9d: {  	[timem:s7], [sflag:s22] =	dma.local [hbm:s5], s20  }
0x9e: {  	_ =	swait.ge [sflag:s22], s20  }
0x9f: {  	s4 =	ssub.s32 $0x0, s20;
	[sflag:s22] =	ssyncset.done $0x0  }
0xa0: {  	[sflag:s22] =	ssyncadd.s32 s4;
	_ =	sdelay $0x1  }
0xa1: {  	s23 =	simm.s32 $0x1B8B  }
0xa2: {  	_ =	swait.ge [sflag:s23], $0x1  }
0xa3: {  	[sflag:s23] =	ssyncset.done $0x0  }
0xa4: {  	s25 =	simm.s32 $0x1B8E;
	s24 =	sld [smem:$0x3FFE];
	[sflag:s23] =	ssyncadd.s32 $0xFFFFFFFF  }
0xa5: {  	s26 =	simm.s32 $execute0_lowered;
	[smem:$0x3FD2] =	sst s25  }
0xa6: {  	s5 =	sshll.u32 s26, $0x1;
	_ =	strace $0x80000046;
	[dreg:$0x1] =	wrdreg $0xFFFFFFFF  }
0xa7: {  	s28 =	simm.s32 $_size_execute0_lowered;
	s3 =	sadd.s32 s3, s5;
	[dreg:$0x0] =	wrdreg $0x0  }
0xa8: {  	s5 =	sshll.u32 s28, $0x1;
	[dreg:$0x2] =	wrdreg s3  }
0xa9: {  	[dreg:$0x3] =	wrdreg s5  }
0xaa: {  	[dreg:$0x4] =	wrdreg $0xC0  }
0xab: {  	_ =	task [dreg:s7], $0x5FFFF  }
0xac: {  	[dreg:$0x1] =	wrdreg $0xFFFFFFFF  }
0xad: {  	[dreg:$0x0] =	wrdreg $0x60  }
0xae: {  	[dreg:$0x2] =	wrdreg s24  }
0xaf: {  	[dreg:$0x3] =	wrdreg s2  }
0xb0: {  	[dreg:$0x4] =	wrdreg $0x90800  }
0xb1: {  	[dreg:$0x5] =	wrdreg $0x130800  }
0xb2: {  	[dreg:$0x6] =	wrdreg $0x9  }
0xb3: {  	_ =	task.clear_ibuf [dreg:s7], $0x7FFFF;
	_ =	strace $0x90000046  }
0xb4: {  	s29 =	simm.s32 $0x9;
	_ =	strace $0x80000048  }
0xb5: {  	_ =	swait.ge [sflag:s29], $0x1  }
0xb6: {  	[sflag:s29] =	ssyncadd.s32 $0xFFFFFFFF  }
0xb7: {  	_ =	strace $0x90000048  }
0xb8: {  	_ =	sfence  }
0xb9: {  	s30 =	sld [smem:$0x0];
	_ =	sdelay $0x2  }
0xba: {  	s31 =	sshll.u32 s1, $0xD;
	s1 =	sshrl.u32 s1, $0x2  }
0xbb: {  	s3 =	sand.u32 $0x4000, s31;
	s1 =	sadd.s32 s1, s30  }
0xbc: {  	s0 =	sor.u32 s3, s0;
	s1 =	sshll.u32 s1, $0x11  }
0xbd: {  	s0 =	sor.u32 s1, s0  }
0xbe: {  	s0 =	sadd.s32 $0x8F2B, s0  }
0xbf: {  	[sflag:s0] =	ssyncadd.remote.s32 $0x1  }
0xc0: {  	_ =	sfence.sel $0xFFFF  }
0xc1: {  	[dreg:$0x0] =	wrdreg $0xFFFFFFFF;
	(pc) =	sbr.abs _section_cstart, $3  }
0xc2: {  	[dreg:$0x1] =	wrdreg $0xFFFFFFFF  }
0xc3: {  	_ =	task.clear_ibuf [dreg:s7], $0x2FFFF;
	_ =	strace $0x9FFFFFFF  }
0xc4: {  	(tm) =	ssettm $0x7FFFFFFF  }
0xc5: {  	_ =	shalt  }
tec
execute0_lowered:
.L_overlay_start_1:
0x0: {  	(tag) =	ssettag $0x1  }
0x1: {  	s0 =	rddreg [dreg:$0x0]  }
0x2: {  	s2 =	rddreg [dreg:$0x2]  }
0x3: {  	s4 =	rddreg [dreg:$0x3];
	s5 =	simm.s32 $0x0;
	s1 =	stileid.u32  }
0x4: {  	s9 =	srdreg.scid;
	s20 =	simm.s32 $0x80;
	s21 =	simm.s32 $0x5000  }
0x5: {  	s22 =	simm.s32 $0x7000;
	s23 =	simm.s32 $0x1;
	s24 =	simm.s32 $0x9000  }
0x6: {  	s28 =	simm.s32 $0x4F00;
	s29 =	simm.s32 $0x4F80;
	s8 =	smul.u32 $0x500, s1  }
0x7: {  	s30 =	simm.s32 $0x0;
	[smem:$0x7FF] =	sst s5;
	s10 =	smul.u32 $0x14000, s1  }
0x8: {  	s6 =	sadd.s32 $0x16800, s0;
	s7 =	sadd.s32 $0x2E00, s0;
	s19 =	sand.u32 $0x1, s9  }
0x9: {  	s31 =	sshll.u32 s1, $0x6;
	p2 =	seq.s32 s1, $0x0;
	_ =	strace $0x80000047  }
0xa: {  	s25 =	ssub.s32 $0x2, s19;
	s17 =	sor.u32 s1, s19;
	p1 =	sne.s32 s19, $0x0  }
0xb: {  	s19 =	simm.s32 $0x2800;
	s12 =	sadd.s32 s8, s0;
	s11 =	sshrl.u32 s10, $0x4  }
0xc: {  	s8 =	sadd.s32 $0x34200, s0;
	s26 =	sshrl.u32 s25, $0x1;
	s10 =	sshrl.u32 s10, $0x1  }
0xd: {  	p0 =	sne.s32 s17, $0x0;
	s17 =	simm.s32 $0x3;
	s14 =	sadd.s32 s11, s0  }
.Ltmp0:
0xe: {  	s0 =	sadd.s32 $0x34800, s0;
	s16 =	sadd.s32 s10, s2;
	(pc) =	sbr.rel .LBB2_1-.Ltmp0, $4  }
0xf: {  	s10 =	sor.u32 $0x1C03, s31;
	s11 =	sadd.s32 $0x2A200, s12;
	s12 =	sadd.s32 $0x2F200, s12  }
0x10: {  	s18 =	sshrl.u32 @!p0 s4, $0x3;
	[dreg:$0x5] =	wrdreg s0;
	s0 =	ssub.s32 s25, s26  }
0x11: {  	s13 =	sadd.s32 $0x34E00, s14;
	s14 =	sadd.s32 $0x48E00, s14;
	s16 =	sshrl.u32 s16, $0x3  }
0x12: {  	v0 =	vimm.f32 $1.000000000e+00;
	s25 =	simm.s32 $0x2;
	s26 =	simm.s32 $0x2780;
	s15 =	smax.u32 s0, $0x1  }
.LBB2_7:
0x13: {  	s0 =	sadd.s32 $0x80, s31;
	[sflag:s17] =	ssyncadd.s32 $0xFFFFE000  }
0x14: {  	[tilespmem:s22], [sflag:$0x2] =	stream.indirect.gather [hbm4b:s7+s20], $0x40, s0, s20, $0xb8;
	[tilespmem:$0x13300] =	vst v63  }
0x15: {  	_ =	swait.ge [sflag:s23], $0x2000  }
0x16: {  	[sflag:s23] =	ssyncset.done $0x0  }
0x17: {  	s3 =	sadd.s32 $0x2800, s31;
	[sflag:s23] =	ssyncadd.s32 $0xFFFFE000  }
0x18: {  	[spmem:s2] =	stream.indirect.scatter.add.bf16 [tilespmem:s21], [sflag:$0x3], $0x40, s3, s20, $0xb8;
	[tilespmem:$0x13300] =	vst v63  }
0x19: {  	_ =	swait.ge [sflag:s17], $0x2000  }
0x1a: {  	[sflag:s17] =	ssyncset.done $0x0  }
0x1b: {  	s9 =	sadd.s32 $0x100, s31;
	[sflag:s17] =	ssyncadd.s32 $0xFFFFE000  }
0x1c: {  	[tilespmem:s21], [sflag:$0x1] =	stream.indirect.gather [hbm4b:s7+s20], $0x40, s9, s20, $0xb8;
	[tilespmem:$0x13300] =	vst v63  }
0x1d: {  	_ =	swait.ge [sflag:s25], $0x2000  }
0x1e: {  	[sflag:s25] =	ssyncset.done $0x0  }
0x1f: {  	s31 =	sadd.s32 $0x2880, s31;
	[sflag:s25] =	ssyncadd.s32 $0xFFFFE000  }
0x20: {  	[spmem:s2] =	stream.indirect.scatter.add.bf16 [tilespmem:s22], [sflag:$0x3], $0x40, s31, s20, $0xb8;
	[tilespmem:$0x13300] =	vst v63  }
0x21: {  	_ =	swait.ge [sflag:s17], $0x2000  }
0x22: {  	[sflag:s17] =	ssyncset.done $0x0  }
0x23: {  	[sflag:s17] =	ssyncadd.s32 $0xFFFFE000  }
0x24: {  	[tilespmem:s22], [sflag:$0x2] =	stream.indirect.gather [hbm4b:s7+s20], $0x40, s26, s20, $0xb8;
	[tilespmem:$0x13300] =	vst v63  }
0x25: {  	_ =	swait.ge [sflag:s23], $0x2000  }
0x26: {  	[sflag:s23] =	ssyncset.done $0x0  }
0x27: {  	[sflag:s23] =	ssyncadd.s32 $0xFFFFE000  }
0x28: {  	[spmem:s2] =	stream.indirect.scatter.add.bf16 [tilespmem:s21], [sflag:$0x3], $0x40, s28, s20, $0xb8;
	[tilespmem:$0x13300] =	vst v63  }
0x29: {  	_ =	swait.ge [sflag:s17], $0x2000  }
0x2a: {  	[sflag:s17] =	ssyncset.done $0x0  }
0x2b: {  	[sflag:s17] =	ssyncadd.s32 $0xFFFFE000  }
0x2c: {  	[tilespmem:s21], [sflag:$0x1] =	stream.indirect.gather [hbm4b:s7+s20], $0x40, s26, s20, $0xb8;
	[tilespmem:$0x13300] =	vst v63  }
0x2d: {  	_ =	swait.ge [sflag:s25], $0x2000  }
0x2e: {  	[sflag:s25] =	ssyncset.done $0x0  }
0x2f: {  	[sflag:s25] =	ssyncadd.s32 $0xFFFFE000  }
0x30: {  	[spmem:s2] =	stream.indirect.scatter.add.bf16 [tilespmem:s22], [sflag:$0x3], $0x40, s29, s20, $0xb8;
	[tilespmem:$0x13300] =	vst v63  }
0x31: {  	_ =	swait.ge [sflag:s17], $0x2000  }
0x32: {  	[sflag:s17] =	ssyncset.done $0x0  }
0x33: {  	[sflag:s17] =	ssyncadd.s32 $0xFFFFE000  }
0x34: {  	_ =	swait.ge [sflag:s23], $0x2000  }
0x35: {  	[sflag:s23] =	ssyncset.done $0x0  }
0x36: {  	[sflag:s23] =	ssyncadd.s32 $0xFFFFE000  }
0x37: {  	[bflag:$0x0] =	sbarrier.arrive $0xFFFF  }
0x38: {  	[hbm:s13], [sflag:s10] =	dma.local [spmem:s16], $0x1400  }
0x39: {  	_ =	swait.ge [sflag:s17], $0x1400  }
0x3a: {  	[sflag:s17] =	ssyncset.done $0x0  }
0x3b: {  	[sflag:s17] =	ssyncadd.s32 $0xFFFFEC00  }
.LBB2_8:
0x3c: {  	s30 =	sadd.s32 $0x1, s30  }
0x3d: {  	p3 =	sne.s32 s30, s15  }
.Ltmp1:
0x3e: {  	_ = 	snop;
	(pc) =	sbr.rel @!p3 .LBB2_9-.Ltmp1, $1  }
0x3f: {  	_ =	sdelay $0x3  }
.LBB2_1:
0x40: {  	s0 =	rddreg [dreg:$0x1]  }
0x41: {  	[spmem:s16], [sflag:s10] =	dma.local [hbm:s0], $0x1400  }
0x42: {  	_ =	swait.ge [sflag:s17], $0x1400  }
0x43: {  	[sflag:s17] =	ssyncset.done $0x0  }
0x44: {  	s0 =	simm.s32 @!p0 $0x3;
	[sflag:s17] =	ssyncadd.s32 $0xFFFFEC00  }
0x45: {  	[spmem:s18], [sflag:s10] =	dma.local @!p0 [hbm:s8], $0x500  }
0x46: {  	_ =	swait.ge @!p0 [sflag:s0], $0x500  }
0x47: {  	[sflag:s0] =	ssyncset.done @!p0 $0x0  }
0x48: {  	[sflag:s0] =	ssyncadd.s32 @!p0 $0xFFFFFB00  }
0x49: {  	[tilespmem:$0x9000] =	vst v0  }
0x4a: {  	[tilespmem:$0x9010] =	vst v0  }
0x4b: {  	[tilespmem:$0x9020] =	vst v0  }
0x4c: {  	[tilespmem:$0x9030] =	vst v0  }
0x4d: {  	[tilespmem:$0x9040] =	vst v0  }
0x4e: {  	[tilespmem:$0x9050] =	vst v0  }
0x4f: {  	[tilespmem:$0x9060] =	vst v0  }
0x50: {  	[tilespmem:$0x9070] =	vst v0  }
0x51: {  	[bflag:$0x0] =	sbarrier.arrive $0xFFFF  }
0x52: {  	[tilespmem:s5], [sflag:$0x3] =	stream.linear.gather [hbm4b:s11+s5], $0x2800, $0x38;
	[tilespmem:$0x13300] =	vst v63  }
0x53: {  	_ =	swait.ge [sflag:s17], $0x2800  }
0x54: {  	[sflag:s17] =	ssyncset.done $0x0  }
.Ltmp2:
0x55: {  	[sflag:s17] =	ssyncadd.s32 $0xFFFFD800;
	(pc) =	sbr.rel @p1 .LBB2_5-.Ltmp2, $4  }
0x56: {  	[tilespmem:s19], [sflag:$0x3] =	stream.linear.gather [hbm4b:s12+s5], $0x2800, $0x38;
	[tilespmem:$0x13300] =	vst v63  }
0x57: {  	_ =	swait.ge [sflag:s17], $0x2800  }
0x58: {  	[sflag:s17] =	ssyncset.done $0x0  }
0x59: {  	s0 =	simm.s32 $0x0;
	[sflag:s17] =	ssyncadd.s32 $0xFFFFD800  }
0x5a: {  	[tilespmem:s21], [sflag:$0x1] =	stream.indirect.gather [hbm4b:s6+s20], $0x40, s0, s20, $0xb8;
	[tilespmem:$0x13300] =	vst v63  }
0x5b: {  	s9 =	simm.s32 $0x80  }
0x5c: {  	[tilespmem:s22], [sflag:$0x2] =	stream.indirect.gather [hbm4b:s6+s20], $0x40, s9, s20, $0xb8;
	[tilespmem:$0x13300] =	vst v63  }
0x5d: {  	_ =	swait.ge [sflag:s23], $0x2000  }
0x5e: {  	[sflag:s23] =	ssyncset.done $0x0  }
0x5f: {  	s1 =	simm.s32 $0x2800;
	[sflag:s23] =	ssyncadd.s32 $0xFFFFE000  }
0x60: {  	[spmem:s2] =	stream.indirect.scatter.add.bf16 [tilespmem:s21], [sflag:$0x3], $0x40, s1, s20, $0xb8;
	[tilespmem:$0x13300] =	vst v63  }
0x61: {  	_ =	swait.ge [sflag:s17], $0x2000  }
0x62: {  	[sflag:s17] =	ssyncset.done $0x0  }
0x63: {  	[sflag:s17] =	ssyncadd.s32 $0xFFFFE000  }
0x64: {  	[spmem:s4] =	stream.indirect.scatter.add.f32 [tilespmem:s24], [sflag:$0x3], $0x1, s1, s20, $0xb8;
	[tilespmem:$0x13300] =	vst v63  }
0x65: {  	_ =	swait.ge [sflag:s17], $0x80  }
0x66: {  	[sflag:s17] =	ssyncset.done $0x0  }
0x67: {  	s3 =	simm.s32 $0x100;
	[sflag:s17] =	ssyncadd.s32 $0xFFFFFF80  }
0x68: {  	[tilespmem:s21], [sflag:$0x1] =	stream.indirect.gather [hbm4b:s6+s20], $0x40, s3, s20, $0xb8;
	[tilespmem:$0x13300] =	vst v63  }
0x69: {  	_ =	swait.ge [sflag:s25], $0x2000  }
0x6a: {  	[sflag:s25] =	ssyncset.done $0x0  }
0x6b: {  	s9 =	simm.s32 $0x2880;
	[sflag:s25] =	ssyncadd.s32 $0xFFFFE000  }
0x6c: {  	[spmem:s2] =	stream.indirect.scatter.add.bf16 [tilespmem:s22], [sflag:$0x3], $0x40, s9, s20, $0xb8;
	[tilespmem:$0x13300] =	vst v63  }
0x6d: {  	_ =	swait.ge [sflag:s17], $0x2000  }
0x6e: {  	[sflag:s17] =	ssyncset.done $0x0  }
0x6f: {  	[sflag:s17] =	ssyncadd.s32 $0xFFFFE000  }
0x70: {  	[spmem:s4] =	stream.indirect.scatter.add.f32 [tilespmem:s24], [sflag:$0x3], $0x1, s9, s20, $0xb8;
	[tilespmem:$0x13300] =	vst v63  }
0x71: {  	_ =	swait.ge [sflag:s17], $0x80  }
0x72: {  	s0 =	simm.s32 $0x800;
	s31 =	simm.s32 $0x100;
	[sflag:s17] =	ssyncset.done $0x0  }
.LBB2_3:
0x73: {  	s3 =	sadd.s32 $0x80, s31  }
0x74: {  	[sflag:s17] =	ssyncadd.s32 $0xFFFFFF80;
	s1 =	smov.u32 s0;
	s9 =	sadd.s32 $0x400, s0  }
0x75: {  	[tilespmem:s22], [sflag:$0x2] =	stream.indirect.gather [hbm4b:s6+s20], $0x40, s3, s20, $0xb8;
	[tilespmem:$0x13300] =	vst v63  }
0x76: {  	p3 =	sne.s32 s0, $0x9800;
	_ =	swait.ge [sflag:s23], $0x2000  }
0x77: {  	[sflag:s23] =	ssyncset.done $0x0  }
0x78: {  	s0 =	sadd.s32 $0x2800, s31;
	[sflag:s23] =	ssyncadd.s32 $0xFFFFE000  }
0x79: {  	[spmem:s2] =	stream.indirect.scatter.add.bf16 [tilespmem:s21], [sflag:$0x3], $0x40, s0, s20, $0xb8;
	[tilespmem:$0x13300] =	vst v63  }
0x7a: {  	_ =	swait.ge [sflag:s17], $0x2000  }
0x7b: {  	[sflag:s17] =	ssyncset.done $0x0  }
0x7c: {  	[sflag:s17] =	ssyncadd.s32 $0xFFFFE000  }
0x7d: {  	[spmem:s4] =	stream.indirect.scatter.add.f32 [tilespmem:s24], [sflag:$0x3], $0x1, s0, s20, $0xb8;
	[tilespmem:$0x13300] =	vst v63  }
0x7e: {  	_ =	swait.ge [sflag:s17], $0x80  }
0x7f: {  	[sflag:s17] =	ssyncset.done $0x0  }
0x80: {  	s0 =	sadd.s32 $0x100, s31;
	[sflag:s17] =	ssyncadd.s32 $0xFFFFFF80  }
0x81: {  	[tilespmem:s21], [sflag:$0x1] =	stream.indirect.gather [hbm4b:s6+s20], $0x40, s0, s20, $0xb8;
	[tilespmem:$0x13300] =	vst v63  }
0x82: {  	_ =	swait.ge [sflag:s25], $0x2000  }
0x83: {  	[sflag:s25] =	ssyncset.done $0x0  }
0x84: {  	s0 =	sadd.s32 $0x2880, s31;
	[sflag:s25] =	ssyncadd.s32 $0xFFFFE000  }
0x85: {  	[spmem:s2] =	stream.indirect.scatter.add.bf16 [tilespmem:s22], [sflag:$0x3], $0x40, s0, s20, $0xb8;
	[tilespmem:$0x13300] =	vst v63  }
0x86: {  	_ =	swait.ge [sflag:s17], $0x2000  }
.Ltmp3:
0x87: {  	[sflag:s17] =	ssyncset.done $0x0;
	(pc) =	sbr.rel @p3 .LBB2_3-.Ltmp3, $4  }
0x88: {  	[sflag:s17] =	ssyncadd.s32 $0xFFFFE000  }
0x89: {  	[spmem:s4] =	stream.indirect.scatter.add.f32 [tilespmem:s24], [sflag:$0x3], $0x1, s0, s20, $0xb8;
	[tilespmem:$0x13300] =	vst v63  }
0x8a: {  	_ =	swait.ge [sflag:s17], $0x80  }
0x8b: {  	s31 =	sshra.s32 s1, $0x2;
	s0 =	smov.u32 s9;
	[sflag:s17] =	ssyncset.done $0x0  }
0x8c: {  	s0 =	sadd.s32 $0x80, s31;
	[sflag:s17] =	ssyncadd.s32 $0xFFFFFF80  }
0x8d: {  	[tilespmem:s22], [sflag:$0x2] =	stream.indirect.gather [hbm4b:s6+s20], $0x40, s0, s20, $0xb8;
	[tilespmem:$0x13300] =	vst v63  }
0x8e: {  	_ =	swait.ge [sflag:s23], $0x2000  }
0x8f: {  	[sflag:s23] =	ssyncset.done $0x0  }
0x90: {  	s3 =	sadd.s32 $0x2800, s31;
	[sflag:s23] =	ssyncadd.s32 $0xFFFFE000  }
0x91: {  	[spmem:s2] =	stream.indirect.scatter.add.bf16 [tilespmem:s21], [sflag:$0x3], $0x40, s3, s20, $0xb8;
	[tilespmem:$0x13300] =	vst v63  }
0x92: {  	_ =	swait.ge [sflag:s17], $0x2000  }
0x93: {  	[sflag:s17] =	ssyncset.done $0x0  }
0x94: {  	[sflag:s17] =	ssyncadd.s32 $0xFFFFE000  }
0x95: {  	[spmem:s4] =	stream.indirect.scatter.add.f32 [tilespmem:s24], [sflag:$0x3], $0x1, s3, s20, $0xb8;
	[tilespmem:$0x13300] =	vst v63  }
0x96: {  	_ =	swait.ge [sflag:s17], $0x80  }
0x97: {  	[sflag:s17] =	ssyncset.done $0x0  }
0x98: {  	s9 =	sadd.s32 $0x100, s31;
	[sflag:s17] =	ssyncadd.s32 $0xFFFFFF80  }
0x99: {  	[tilespmem:s21], [sflag:$0x1] =	stream.indirect.gather [hbm4b:s6+s20], $0x40, s9, s20, $0xb8;
	[tilespmem:$0x13300] =	vst v63  }
0x9a: {  	_ =	swait.ge [sflag:s25], $0x2000  }
0x9b: {  	[sflag:s25] =	ssyncset.done $0x0  }
0x9c: {  	s31 =	sadd.s32 $0x2880, s31;
	[sflag:s25] =	ssyncadd.s32 $0xFFFFE000  }
0x9d: {  	[spmem:s2] =	stream.indirect.scatter.add.bf16 [tilespmem:s22], [sflag:$0x3], $0x40, s31, s20, $0xb8;
	[tilespmem:$0x13300] =	vst v63  }
0x9e: {  	_ =	swait.ge [sflag:s17], $0x2000  }
0x9f: {  	[sflag:s17] =	ssyncset.done $0x0  }
0xa0: {  	[sflag:s17] =	ssyncadd.s32 $0xFFFFE000  }
0xa1: {  	[spmem:s4] =	stream.indirect.scatter.add.f32 [tilespmem:s24], [sflag:$0x3], $0x1, s31, s20, $0xb8;
	[tilespmem:$0x13300] =	vst v63  }
0xa2: {  	_ =	swait.ge [sflag:s17], $0x80  }
0xa3: {  	[sflag:s17] =	ssyncset.done $0x0  }
0xa4: {  	[sflag:s17] =	ssyncadd.s32 $0xFFFFFF80  }
0xa5: {  	[tilespmem:s22], [sflag:$0x2] =	stream.indirect.gather [hbm4b:s6+s20], $0x40, s26, s20, $0xb8;
	[tilespmem:$0x13300] =	vst v63  }
0xa6: {  	_ =	swait.ge [sflag:s23], $0x2000  }
0xa7: {  	[sflag:s23] =	ssyncset.done $0x0  }
0xa8: {  	[sflag:s23] =	ssyncadd.s32 $0xFFFFE000  }
0xa9: {  	[spmem:s2] =	stream.indirect.scatter.add.bf16 [tilespmem:s21], [sflag:$0x3], $0x40, s28, s20, $0xb8;
	[tilespmem:$0x13300] =	vst v63  }
0xaa: {  	_ =	swait.ge [sflag:s17], $0x2000  }
0xab: {  	[sflag:s17] =	ssyncset.done $0x0  }
0xac: {  	[sflag:s17] =	ssyncadd.s32 $0xFFFFE000  }
0xad: {  	[spmem:s4] =	stream.indirect.scatter.add.f32 [tilespmem:s24], [sflag:$0x3], $0x1, s28, s20, $0xb8;
	[tilespmem:$0x13300] =	vst v63  }
0xae: {  	_ =	swait.ge [sflag:s17], $0x80  }
0xaf: {  	[sflag:s17] =	ssyncset.done $0x0  }
0xb0: {  	[sflag:s17] =	ssyncadd.s32 $0xFFFFFF80  }
0xb1: {  	[tilespmem:s21], [sflag:$0x1] =	stream.indirect.gather [hbm4b:s6+s20], $0x40, s26, s20, $0xb8;
	[tilespmem:$0x13300] =	vst v63  }
0xb2: {  	_ =	swait.ge [sflag:s25], $0x2000  }
0xb3: {  	[sflag:s25] =	ssyncset.done $0x0  }
0xb4: {  	[sflag:s25] =	ssyncadd.s32 $0xFFFFE000  }
0xb5: {  	[spmem:s2] =	stream.indirect.scatter.add.bf16 [tilespmem:s22], [sflag:$0x3], $0x40, s29, s20, $0xb8;
	[tilespmem:$0x13300] =	vst v63  }
0xb6: {  	_ =	swait.ge [sflag:s17], $0x2000  }
0xb7: {  	[sflag:s17] =	ssyncset.done $0x0  }
0xb8: {  	[sflag:s17] =	ssyncadd.s32 $0xFFFFE000  }
0xb9: {  	[spmem:s4] =	stream.indirect.scatter.add.f32 [tilespmem:s24], [sflag:$0x3], $0x1, s29, s20, $0xb8;
	[tilespmem:$0x13300] =	vst v63  }
0xba: {  	_ =	swait.ge [sflag:s17], $0x80  }
0xbb: {  	[sflag:s17] =	ssyncset.done $0x0  }
0xbc: {  	[sflag:s17] =	ssyncadd.s32 $0xFFFFFF80  }
0xbd: {  	_ =	swait.ge [sflag:s23], $0x2000  }
0xbe: {  	[sflag:s23] =	ssyncset.done $0x0  }
0xbf: {  	[sflag:s23] =	ssyncadd.s32 $0xFFFFE000  }
0xc0: {  	[bflag:$0x0] =	sbarrier.arrive $0xFFFF  }
0xc1: {  	[hbm:s14], [sflag:s10] =	dma.local [spmem:s16], $0x1400  }
0xc2: {  	_ =	swait.ge [sflag:s17], $0x1400  }
0xc3: {  	[sflag:s17] =	ssyncset.done $0x0  }
0xc4: {  	s0 =	sshrl.u32 @p2 s4, $0x3;
	s1 =	rddreg [dreg:$0x5];
	[sflag:s17] =	ssyncadd.s32 $0xFFFFEC00  }
0xc5: {  	[hbm:s1], [sflag:s10] =	dma.local @p2 [spmem:s0], $0x500  }
.Ltmp4:
0xc6: {  	_ = 	snop;
	(pc) =	sbr.rel .LBB2_8-.Ltmp4, $4  }
0xc7: {  	s0 =	simm.s32 @p2 $0x3  }
0xc8: {  	_ =	swait.ge @p2 [sflag:s0], $0x500  }
0xc9: {  	[sflag:s0] =	ssyncset.done @p2 $0x0  }
0xca: {  	[sflag:s0] =	ssyncadd.s32 @p2 $0xFFFFFB00  }
.LBB2_5:
0xcb: {  	[tilespmem:s21], [sflag:$0x1] =	stream.indirect.gather [hbm4b:s7+s20], $0x40, s0, s20, $0xb8;
	[tilespmem:$0x13300] =	vst v63  }
0xcc: {  	s9 =	simm.s32 $0x80  }
0xcd: {  	[tilespmem:s22], [sflag:$0x2] =	stream.indirect.gather [hbm4b:s7+s20], $0x40, s9, s20, $0xb8;
	[tilespmem:$0x13300] =	vst v63  }
0xce: {  	_ =	swait.ge [sflag:s23], $0x2000  }
0xcf: {  	[sflag:s23] =	ssyncset.done $0x0  }
0xd0: {  	s1 =	simm.s32 $0x2800;
	[sflag:s23] =	ssyncadd.s32 $0xFFFFE000  }
0xd1: {  	[spmem:s2] =	stream.indirect.scatter.add.bf16 [tilespmem:s21], [sflag:$0x3], $0x40, s1, s20, $0xb8;
	[tilespmem:$0x13300] =	vst v63  }
0xd2: {  	_ =	swait.ge [sflag:s17], $0x2000  }
0xd3: {  	[sflag:s17] =	ssyncset.done $0x0  }
0xd4: {  	s3 =	simm.s32 $0x100;
	[sflag:s17] =	ssyncadd.s32 $0xFFFFE000  }
0xd5: {  	[tilespmem:s21], [sflag:$0x1] =	stream.indirect.gather [hbm4b:s7+s20], $0x40, s3, s20, $0xb8;
	[tilespmem:$0x13300] =	vst v63  }
0xd6: {  	_ =	swait.ge [sflag:s25], $0x2000  }
0xd7: {  	[sflag:s25] =	ssyncset.done $0x0  }
0xd8: {  	s9 =	simm.s32 $0x2880;
	[sflag:s25] =	ssyncadd.s32 $0xFFFFE000  }
0xd9: {  	[spmem:s2] =	stream.indirect.scatter.add.bf16 [tilespmem:s22], [sflag:$0x3], $0x40, s9, s20, $0xb8;
	[tilespmem:$0x13300] =	vst v63  }
0xda: {  	_ =	swait.ge [sflag:s17], $0x2000  }
0xdb: {  	s0 =	simm.s32 $0x800;
	s31 =	simm.s32 $0x100;
	[sflag:s17] =	ssyncset.done $0x0  }
.LBB2_6:
0xdc: {  	s1 =	sadd.s32 $0x80, s31  }
0xdd: {  	[sflag:s17] =	ssyncadd.s32 $0xFFFFE000;
	s3 =	smov.u32 s0;
	s9 =	sadd.s32 $0x400, s0  }
0xde: {  	[tilespmem:s22], [sflag:$0x2] =	stream.indirect.gather [hbm4b:s7+s20], $0x40, s1, s20, $0xb8;
	[tilespmem:$0x13300] =	vst v63  }
0xdf: {  	p3 =	sne.s32 s0, $0x9800;
	_ =	swait.ge [sflag:s23], $0x2000  }
0xe0: {  	[sflag:s23] =	ssyncset.done $0x0  }
0xe1: {  	s0 =	sadd.s32 $0x2800, s31;
	[sflag:s23] =	ssyncadd.s32 $0xFFFFE000  }
0xe2: {  	[spmem:s2] =	stream.indirect.scatter.add.bf16 [tilespmem:s21], [sflag:$0x3], $0x40, s0, s20, $0xb8;
	[tilespmem:$0x13300] =	vst v63  }
0xe3: {  	_ =	swait.ge [sflag:s17], $0x2000  }
0xe4: {  	[sflag:s17] =	ssyncset.done $0x0  }
0xe5: {  	s0 =	sadd.s32 $0x100, s31;
	[sflag:s17] =	ssyncadd.s32 $0xFFFFE000  }
0xe6: {  	[tilespmem:s21], [sflag:$0x1] =	stream.indirect.gather [hbm4b:s7+s20], $0x40, s0, s20, $0xb8;
	[tilespmem:$0x13300] =	vst v63  }
0xe7: {  	_ =	swait.ge [sflag:s25], $0x2000  }
.Ltmp5:
0xe8: {  	[sflag:s25] =	ssyncset.done $0x0;
	(pc) =	sbr.rel @p3 .LBB2_6-.Ltmp5, $4  }
0xe9: {  	s0 =	sadd.s32 $0x2880, s31;
	[sflag:s25] =	ssyncadd.s32 $0xFFFFE000  }
0xea: {  	[spmem:s2] =	stream.indirect.scatter.add.bf16 [tilespmem:s22], [sflag:$0x3], $0x40, s0, s20, $0xb8;
	[tilespmem:$0x13300] =	vst v63  }
0xeb: {  	_ =	swait.ge [sflag:s17], $0x2000  }
0xec: {  	s31 =	sshra.s32 s3, $0x2;
	s0 =	smov.u32 s9;
	[sflag:s17] =	ssyncset.done $0x0  }
.Ltmp6:
0xed: {  	_ = 	snop;
	(pc) =	sbr.rel .LBB2_7-.Ltmp6, $1  }
0xee: {  	_ =	sdelay $0x3  }
.LBB2_9:
0xef: {  	_ =	sfence.sel $0x180000  }
0xf0: {  	[bflag:$0x0] =	sbarrier.arrive $0xFFFF  }
0xf1: {  	_ =	strace $0x90000047  }
0xf2: {  	s0 =	stileid.u32;
	[bflag:$0x2] =	sbarrier.arrive $0xFFFF  }
0xf3: {  	p0 =	sne.s32 s0, $0x0;
	s0 =	rddreg [dreg:$0x4]  }
0xf4: {  	s0 =	sadd.s32 @!p0 $0x100000, s0  }
0xf5: {  	[sflag:s0] =	ssyncadd.tile.s32 @!p0 $0x1;
	_ =	shalt  }
.Lfunc_end2:
_tile_overlayer_lowered:
.L_overlay_start_2:
0xf6: {  	(tag) =	ssettag $0x2  }
0xf7: {  	s0 =	rddreg [dreg:$0x0];
	s2 =	stileid.u32  }
0xf8: {  	s1 =	rddreg [dreg:$0x1];
	p0 =	sne.s32 s2, $0x0  }
0xf9: {  	s3 =	rddreg [dreg:$0x2];
	[bflag:$0x3] =	sbarrier.arrive $0xFFFF;
	s2 =	simm.s32 @!p0 $0x1C03  }
0xfa: {  	[timem:s3], [sflag:s2] =	dma.local @!p0 [hbm:s0], s1  }
0xfb: {  	s0 =	simm.s32 @!p0 $0x3  }
0xfc: {  	_ =	swait.ge @!p0 [sflag:s0], s1  }
0xfd: {  	s1 =	ssub.s32 @!p0 $0x0, s1;
	[sflag:s0] =	ssyncset.done @!p0 $0x0  }
0xfe: {  	[sflag:s0] =	ssyncadd.s32 @!p0 s1  }
0xff: {  	[bflag:$0x3] =	sbarrier.arrive $0xFFFF  }
0x100: {  	_ =	shalt  }

</sc_bundles>
